<compile_context>
chip_gen: v7x
topology: tpu7x:2x2x1
jax: 0.10.2.dev20260603
libtpu: 0.0.44.dev20260713+nightly
codegen_flags: <defaults>
</compile_context>

<pallas_src>
import functools

import jax
import jax.numpy as jnp
from jax import lax
from jax.experimental import pallas as pl
from jax.experimental.pallas import tpu as pltpu
from jax.experimental.pallas import tpu_sc as plsc

N = 10000
E = 320000
D = 128
DE = 16

_NC, _NS = 2, 16
K = 128
NCH = 2560
EPAD = NCH * K
_CPT = NCH // _NS
HALF = 5120
NPH = 5248
_RPT = NPH // _NS

_PREC = lax.Precision.HIGHEST



def _proj_body(f_ref, wsT_ref, wdT_ref, ps_ref, pd_ref):
    f = f_ref[...]
    ps_ref[...] = lax.dot(f, wsT_ref[...], precision=_PREC,
                          preferred_element_type=jnp.float32)
    pd_ref[...] = lax.dot(f, wdT_ref[...], precision=_PREC,
                          preferred_element_type=jnp.float32)


def _edge_body(e_ref, weT_ref, b1_ref, pe_ref):
    pe_ref[...] = lax.dot(e_ref[...], weT_ref[...],
                          preferred_element_type=jnp.float32) + b1_ref[...]


def _out_body(f_ref, a_ref, w2T_ref, w3aT_ref,
              w3bT_ref, w4T_ref, b3_ref, b4_ref, z_ref):
    f = f_ref[...]
    s = f + lax.dot(a_ref[...], w2T_ref[...], precision=_PREC,
                    preferred_element_type=jnp.float32)
    t = lax.dot(f, w3aT_ref[...], precision=_PREC,
                preferred_element_type=jnp.float32)
    t = t + lax.dot(s, w3bT_ref[...], precision=_PREC,
                    preferred_element_type=jnp.float32) + b3_ref[...]
    t = jnp.maximum(t, 0.0)
    z_ref[...] = lax.dot(t, w4T_ref[...], precision=_PREC,
                         preferred_element_type=jnp.float32) + b4_ref[...]


_BN = 2000
_BE = 8000


def _proj_call(f, wsT, wdT):
    w_spec = pl.BlockSpec((D, D), lambda i: (0, 0))
    return pl.pallas_call(
        _proj_body,
        grid=(N // _BN,),
        in_specs=[pl.BlockSpec((_BN, D), lambda i: (i, 0)), w_spec, w_spec],
        out_specs=[pl.BlockSpec((_BN, D), lambda i: (i, 0))] * 2,
        out_shape=[jax.ShapeDtypeStruct((N, D), jnp.float32)] * 2,
    )(f, wsT, wdT)


def _edge_call(e, weT, b1r):
    return pl.pallas_call(
        _edge_body,
        grid=(EPAD // _BE,),
        in_specs=[pl.BlockSpec((_BE, DE), lambda i: (i, 0)),
                  pl.BlockSpec((DE, D), lambda i: (0, 0)),
                  pl.BlockSpec((1, D), lambda i: (0, 0))],
        out_specs=pl.BlockSpec((_BE, D), lambda i: (i, 0)),
        out_shape=jax.ShapeDtypeStruct((EPAD, D), jnp.float32),
    )(e, weT, b1r)


def _out_call(f, a, w2T, w3aT, w3bT, w4T, b3r, b4r):
    blk = pl.BlockSpec((_BN, D), lambda i: (i, 0))
    w_spec = pl.BlockSpec((D, D), lambda i: (0, 0))
    b_spec = pl.BlockSpec((1, D), lambda i: (0, 0))
    return pl.pallas_call(
        _out_body,
        grid=(N // _BN,),
        in_specs=[blk, blk,
                  w_spec, w_spec, w_spec, w_spec, b_spec, b_spec],
        out_specs=blk,
        out_shape=jax.ShapeDtypeStruct((N, D), jnp.float32),
    )(f, a, w2T, w3aT, w3bT, w4T, b3r, b4r)



def _sc_body(ps_hbm, pd_hbm, pe_hbm, src_hbm, dst_hbm, loc_hbm, x_hbm,
             out_hbm,
             bufa, bufb, bufc, idx_s, idx_d, idx_l, xv,
             acc, sem_a, sem_b):
    c = lax.axis_index("c")
    s = lax.axis_index("s")

    pltpu.sync_copy(x_hbm, xv)

    zero16 = jnp.zeros((16,), jnp.float32)

    def _fill(r, _):
        for j in range(D // 16):
            bufa[r, pl.ds(j * 16, 16)] = zero16
        return 0

    lax.fori_loop(0, K, _fill, 0)

    row0 = s * _RPT
    off = 0
    for sz in (K, K, _RPT - 2 * K):
        pltpu.sync_copy(bufa.at[pl.ds(0, sz)],
                        acc.at[pl.ds(row0 + off, sz)])
        off += sz
    plsc.subcore_barrier()

    def _chunk(t, _):
        chunk = s + _NS * t
        base = chunk * K
        pltpu.sync_copy(src_hbm.at[pl.ds(base, K)], idx_s)
        pltpu.sync_copy(dst_hbm.at[pl.ds(base, K)], idx_d)
        pltpu.sync_copy(loc_hbm.at[pl.ds(c * EPAD + base, K)], idx_l)
        cp_a = pltpu.async_copy(ps_hbm.at[idx_s], bufa, sem_a)
        cp_b = pltpu.async_copy(pd_hbm.at[idx_d], bufb, sem_b)
        pltpu.sync_copy(pe_hbm.at[pl.ds(base, K)], bufc)
        cp_a.wait()
        cp_b.wait()

        def _relu_row(r, _):
            for j in range(D // 16):
                sl = pl.ds(j * 16, 16)
                v = bufa[r, sl] + bufb[r, sl] + bufc[r, sl]
                bufc[r, sl] = jnp.maximum(v, 0.0) + xv[sl]
            return 0

        lax.fori_loop(0, K, _relu_row, 0)
        pltpu.sync_copy(bufc, acc.at[idx_l], add=True)
        return 0

    lax.fori_loop(0, _CPT, _chunk, 0)
    plsc.subcore_barrier()

    out_row = c * NPH + row0
    pltpu.sync_copy(acc.at[pl.ds(row0, _RPT)],
                    out_hbm.at[pl.ds(out_row, _RPT)])


@functools.cache
def _make_sc_call():
    return pl.kernel(
        _sc_body,
        out_type=jax.ShapeDtypeStruct((_NC * NPH, D), jnp.float32),
        mesh=plsc.VectorSubcoreMesh(core_axis_name="c", subcore_axis_name="s",
                                    num_cores=_NC, num_subcores=_NS),
        scratch_types=[
            pltpu.VMEM((K, D), jnp.float32),
            pltpu.VMEM((K, D), jnp.float32),
            pltpu.VMEM((K, D), jnp.float32),
            pltpu.VMEM((K,), jnp.int32),
            pltpu.VMEM((K,), jnp.int32),
            pltpu.VMEM((K,), jnp.int32),
            pltpu.VMEM((D,), jnp.float32),
            pltpu.VMEM_SHARED((NPH, D), jnp.float32),
            pltpu.SemaphoreType.DMA,
            pltpu.SemaphoreType.DMA,
        ],
    )



def kernel(features, edge_index, edge_features, W1, b1, W2, b2, W3, b3, W4, b4):
    src = edge_index[0].astype(jnp.int32)
    dst = edge_index[1].astype(jnp.int32)
    w1sT = W1[:, :D].T
    w1eT = W1[:, D:D + DE].T
    w1dT = W1[:, D + DE:].T

    ps, pd = _proj_call(features, w1sT, w1dT)

    x = jnp.linalg.solve(W2, b2)
    for _ in range(2):
        x = x + jnp.linalg.solve(W2, b2 - W2 @ x)

    pad = EPAD - E
    e_p = jnp.concatenate([edge_features, jnp.zeros((pad, DE), jnp.float32)])
    pe_p = _edge_call(e_p, w1eT, b1.reshape(1, D))
    src_p = jnp.concatenate([src, jnp.zeros((pad,), jnp.int32)])
    dst_p = jnp.concatenate([dst, jnp.zeros((pad,), jnp.int32)])
    loc0 = jnp.where(src < HALF, src, HALF)
    loc1 = jnp.where(src >= HALF, src - HALF, HALF)
    trash = jnp.full((pad,), HALF, jnp.int32)
    locs = jnp.concatenate([loc0, trash, loc1, trash])
    part = _make_sc_call()(ps, pd, pe_p, src_p, dst_p, locs, x)
    a_full = jnp.concatenate([part[:HALF], part[NPH:NPH + (N - HALF)]])

    return _out_call(features, a_full,
                     W2.T, W3[:, :D].T, W3[:, D:].T, W4.T,
                     b3.reshape(1, D), b4.reshape(1, D))

# --- scband reference (transcript-rebuilt; emitter-appended) ---
"""Pipeline reference for scband-rel-edge-mlconv-86285892976708 (READ-ONLY COPY).

The authoritative reference and input builder live on the scoring server;
editing this copy changes nothing except your own understanding.
"""

import jax, jax.numpy as jnp
import numpy as np

N_NODES = 10000
N_EDGES = 320000
D_FEAT = 128
D_EDGE = 16
D_OUT = 128


def _xavier(key, shape, gain=1.4142135623730951):
    fan_in, fan_out = shape[1], shape[0]
    bound = gain * np.sqrt(6.0 / (fan_in + fan_out))
    return jax.random.uniform(key, shape, dtype=jnp.float32, minval=-bound, maxval=bound)


def setup_inputs(seed: int = 0) -> dict:
    key = jax.random.key(seed)
    ks = jax.random.split(key, 8)
    features = jax.random.normal(ks[0], (N_NODES, D_FEAT), dtype=jnp.float32)
    edge_index = jax.random.randint(ks[1], (2, N_EDGES), 0, N_NODES, dtype=jnp.int64)
    edge_features = jax.random.normal(ks[2], (N_EDGES, D_EDGE), dtype=jnp.float32)
    W1 = _xavier(ks[3], (D_OUT, 2 * D_FEAT + D_EDGE))
    b1 = jnp.zeros((D_OUT,), dtype=jnp.float32)
    W2 = _xavier(ks[4], (D_FEAT, D_OUT))
    b2 = jnp.zeros((D_FEAT,), dtype=jnp.float32)
    W3 = _xavier(ks[5], (D_OUT, 2 * D_FEAT))
    b3 = jnp.zeros((D_OUT,), dtype=jnp.float32)
    W4 = _xavier(ks[6], (D_OUT, D_OUT))
    b4 = jnp.zeros((D_OUT,), dtype=jnp.float32)
    return {"features": features, "edge_index": edge_index, "edge_features": edge_features,
            "W1": W1, "b1": b1, "W2": W2, "b2": b2, "W3": W3, "b3": b3, "W4": W4, "b4": b4}


def reference(features, edge_index, edge_features, W1, b1, W2, b2, W3, b3, W4, b4):
    src = edge_index[0]
    dst = edge_index[1]
    h = features
    # h_neigh = cat(x[src], e, x[dst]) -> relu(W1) -> W2
    h_neigh = jnp.concatenate([jnp.take(features, src, axis=0), edge_features, jnp.take(features, dst, axis=0)], axis=-1)
    h_neigh = jax.nn.relu(h_neigh @ W1.T + b1)
    h_neigh = h_neigh @ W2.T + b2
    # scatter-add into a clone of h indexed by src (torch_scatter with out=h.clone(), reduce='sum')
    s = h.at[src].add(h_neigh)
    z = jax.nn.relu(jnp.concatenate([features, s], axis=-1) @ W3.T + b3)
    z = z @ W4.T + b4
    return z

if __name__ == "__main__":
    import jax
    _d = setup_inputs()
    print(jax.jit(kernel)(*tuple(_d.values())))

</pallas_src>

<mosaic_0001>
#map = affine_map<(d0, d1) -> (0, 0)>
#map1 = affine_map<(d0, d1) -> (0)>
module attributes {stable_mosaic.version = 14 : i64} {
  func.func @_sc_body(%arg0: i32, %arg1: i32, %arg2: memref<10000x128xf32, #tpu.memory_space<hbm>>, %arg3: memref<10000x128xf32, #tpu.memory_space<hbm>>, %arg4: memref<327680x128xf32, #tpu.memory_space<hbm>>, %arg5: memref<327680xi32, #tpu.memory_space<hbm>>, %arg6: memref<327680xi32, #tpu.memory_space<hbm>>, %arg7: memref<655360xi32, #tpu.memory_space<hbm>>, %arg8: memref<128xf32, #tpu.memory_space<hbm>>, %arg9: memref<10496x128xf32, #tpu.memory_space<hbm>>, %arg10: memref<128x128xf32, #tpu.memory_space<vmem>>, %arg11: memref<128x128xf32, #tpu.memory_space<vmem>>, %arg12: memref<128x128xf32, #tpu.memory_space<vmem>>, %arg13: memref<128xi32, #tpu.memory_space<vmem>>, %arg14: memref<128xi32, #tpu.memory_space<vmem>>, %arg15: memref<128xi32, #tpu.memory_space<vmem>>, %arg16: memref<128xf32, #tpu.memory_space<vmem>>, %arg17: memref<5248x128xf32, #tpu.memory_space<vmem_shared>>, %arg18: memref<!tpu.dma_semaphore, #tpu.memory_space<semaphore_mem>>, %arg19: memref<!tpu.dma_semaphore, #tpu.memory_space<semaphore_mem>>) attributes {dimension_semantics = [#tpu.dimension_semantics<core_parallel>, #tpu.dimension_semantics<subcore_parallel>], iteration_bounds = array<i64: 2, 16>, scalar_prefetch = 0 : i64, scratch_operands = 10 : i64, tpu.core_type = #tpu.core_type<sc_vector_subcore>, window_params = [{transform_indices = #map}, {transform_indices = #map}, {transform_indices = #map}, {transform_indices = #map1}, {transform_indices = #map1}, {transform_indices = #map1}, {transform_indices = #map1}, {transform_indices = #map}]} {
    "tpu.region"() ({
      %run_scoped3A = tpu.sem_alloc : memref<!tpu.dma_semaphore, #tpu.memory_space<semaphore_mem>>
      tpu.enqueue_dma source(%arg8 : memref<128xf32, #tpu.memory_space<hbm>>) target(%arg16 : memref<128xf32, #tpu.memory_space<vmem>>) target_semaphore(%run_scoped3A : memref<!tpu.dma_semaphore, #tpu.memory_space<semaphore_mem>>)
      tpu.wait_dma2 semaphore(%run_scoped3A : memref<!tpu.dma_semaphore, #tpu.memory_space<semaphore_mem>>) src(%arg8 : memref<128xf32, #tpu.memory_space<hbm>>) dst(%arg16 : memref<128xf32, #tpu.memory_space<vmem>>)
      tpu.yield
    }) : () -> ()
    %broadcast_in_dim3A = arith.constant 0.000000e+00 : f32
    %broadcast_in_dim3A_0 = vector.broadcast %broadcast_in_dim3A : f32 to vector<16xf32>
    %scan3A = arith.constant 0 : i32
    %scan3A_1 = arith.constant 0 : i32
    %scan3A_2 = arith.constant 128 : i32
    %scan3A_3 = arith.addi %scan3A_1, %scan3A_2 : i32
    %scan3A_4 = arith.constant 1 : i32
    %scan3A_5 = scf.for %scan3A_24 = %scan3A_1 to %scan3A_3 step %scan3A_4 iter_args(%scan3A_25 = %scan3A) -> (i32)  : i32 {
      %swap3A = arith.index_cast %scan3A_24 : i32 to index
      %swap3A_26 = arith.constant 0 : index
      %swap3A_27 = tpu.vector_load %arg10[%swap3A, %swap3A_26] {strides = array<i32>} : memref<128x128xf32, #tpu.memory_space<vmem>>, vector<1x16xf32>,
      %swap3A_28 = vector.shape_cast %swap3A_27 : vector<1x16xf32> to vector<16xf32>
      %swap3A_29 = vector.shape_cast %broadcast_in_dim3A_0 : vector<16xf32> to vector<1x16xf32>
      tpu.vector_store %arg10[%swap3A, %swap3A_26], %swap3A_29 {strides = array<i32>} : memref<128x128xf32, #tpu.memory_space<vmem>>, vector<1x16xf32>,
      %swap3A_30 = arith.index_cast %scan3A_24 : i32 to index
      %swap3A_31 = arith.constant 16 : index
      %swap3A_32 = tpu.vector_load %arg10[%swap3A_30, %swap3A_31] {strides = array<i32>} : memref<128x128xf32, #tpu.memory_space<vmem>>, vector<1x16xf32>,
      %swap3A_33 = vector.shape_cast %swap3A_32 : vector<1x16xf32> to vector<16xf32>
      %swap3A_34 = vector.shape_cast %broadcast_in_dim3A_0 : vector<16xf32> to vector<1x16xf32>
      tpu.vector_store %arg10[%swap3A_30, %swap3A_31], %swap3A_34 {strides = array<i32>} : memref<128x128xf32, #tpu.memory_space<vmem>>, vector<1x16xf32>,
      %swap3A_35 = arith.index_cast %scan3A_24 : i32 to index
      %swap3A_36 = arith.constant 32 : index
      %swap3A_37 = tpu.vector_load %arg10[%swap3A_35, %swap3A_36] {strides = array<i32>} : memref<128x128xf32, #tpu.memory_space<vmem>>, vector<1x16xf32>,
      %swap3A_38 = vector.shape_cast %swap3A_37 : vector<1x16xf32> to vector<16xf32>
      %swap3A_39 = vector.shape_cast %broadcast_in_dim3A_0 : vector<16xf32> to vector<1x16xf32>
      tpu.vector_store %arg10[%swap3A_35, %swap3A_36], %swap3A_39 {strides = array<i32>} : memref<128x128xf32, #tpu.memory_space<vmem>>, vector<1x16xf32>,
      %swap3A_40 = arith.index_cast %scan3A_24 : i32 to index
      %swap3A_41 = arith.constant 48 : index
      %swap3A_42 = tpu.vector_load %arg10[%swap3A_40, %swap3A_41] {strides = array<i32>} : memref<128x128xf32, #tpu.memory_space<vmem>>, vector<1x16xf32>,
      %swap3A_43 = vector.shape_cast %swap3A_42 : vector<1x16xf32> to vector<16xf32>
      %swap3A_44 = vector.shape_cast %broadcast_in_dim3A_0 : vector<16xf32> to vector<1x16xf32>
      tpu.vector_store %arg10[%swap3A_40, %swap3A_41], %swap3A_44 {strides = array<i32>} : memref<128x128xf32, #tpu.memory_space<vmem>>, vector<1x16xf32>,
      %swap3A_45 = arith.index_cast %scan3A_24 : i32 to index
      %swap3A_46 = arith.constant 64 : index
      %swap3A_47 = tpu.vector_load %arg10[%swap3A_45, %swap3A_46] {strides = array<i32>} : memref<128x128xf32, #tpu.memory_space<vmem>>, vector<1x16xf32>,
      %swap3A_48 = vector.shape_cast %swap3A_47 : vector<1x16xf32> to vector<16xf32>
      %swap3A_49 = vector.shape_cast %broadcast_in_dim3A_0 : vector<16xf32> to vector<1x16xf32>
      tpu.vector_store %arg10[%swap3A_45, %swap3A_46], %swap3A_49 {strides = array<i32>} : memref<128x128xf32, #tpu.memory_space<vmem>>, vector<1x16xf32>,
      %swap3A_50 = arith.index_cast %scan3A_24 : i32 to index
      %swap3A_51 = arith.constant 80 : index
      %swap3A_52 = tpu.vector_load %arg10[%swap3A_50, %swap3A_51] {strides = array<i32>} : memref<128x128xf32, #tpu.memory_space<vmem>>, vector<1x16xf32>,
      %swap3A_53 = vector.shape_cast %swap3A_52 : vector<1x16xf32> to vector<16xf32>
      %swap3A_54 = vector.shape_cast %broadcast_in_dim3A_0 : vector<16xf32> to vector<1x16xf32>
      tpu.vector_store %arg10[%swap3A_50, %swap3A_51], %swap3A_54 {strides = array<i32>} : memref<128x128xf32, #tpu.memory_space<vmem>>, vector<1x16xf32>,
      %swap3A_55 = arith.index_cast %scan3A_24 : i32 to index
      %swap3A_56 = arith.constant 96 : index
      %swap3A_57 = tpu.vector_load %arg10[%swap3A_55, %swap3A_56] {strides = array<i32>} : memref<128x128xf32, #tpu.memory_space<vmem>>, vector<1x16xf32>,
      %swap3A_58 = vector.shape_cast %swap3A_57 : vector<1x16xf32> to vector<16xf32>
      %swap3A_59 = vector.shape_cast %broadcast_in_dim3A_0 : vector<16xf32> to vector<1x16xf32>
      tpu.vector_store %arg10[%swap3A_55, %swap3A_56], %swap3A_59 {strides = array<i32>} : memref<128x128xf32, #tpu.memory_space<vmem>>, vector<1x16xf32>,
      %swap3A_60 = arith.index_cast %scan3A_24 : i32 to index
      %swap3A_61 = arith.constant 112 : index
      %swap3A_62 = tpu.vector_load %arg10[%swap3A_60, %swap3A_61] {strides = array<i32>} : memref<128x128xf32, #tpu.memory_space<vmem>>, vector<1x16xf32>,
      %swap3A_63 = vector.shape_cast %swap3A_62 : vector<1x16xf32> to vector<16xf32>
      %swap3A_64 = vector.shape_cast %broadcast_in_dim3A_0 : vector<16xf32> to vector<1x16xf32>
      tpu.vector_store %arg10[%swap3A_60, %swap3A_61], %swap3A_64 {strides = array<i32>} : memref<128x128xf32, #tpu.memory_space<vmem>>, vector<1x16xf32>,
      %scan3A_65 = arith.constant 0 : i32
      scf.yield %scan3A_65 : i32
    }
    %scan3A_6 = arith.constant 128 : i32
    %mul3A = arith.constant 328 : i32
    %mul3A_7 = arith.muli %arg1, %mul3A : i32
    %add3A = arith.constant 0 : i32
    %add3A_8 = arith.addi %mul3A_7, %add3A : i32
    "tpu.region"() ({
      %run_scoped3A = tpu.sem_alloc : memref<!tpu.dma_semaphore, #tpu.memory_space<semaphore_mem>>
      %dma_start3A = arith.constant 0 : i32
      %dma_start3A_24 = arith.constant 0 : i32
      %dma_start3A_25 = tpu.memref_slice %arg10[%dma_start3A, %dma_start3A_24] : memref<128x128xf32, #tpu.memory_space<vmem>> -> memref<128x128xf32, #tpu.memory_space<vmem>>
      %dma_start3A_26 = arith.constant 0 : i32
      %dma_start3A_27 = tpu.memref_slice %arg17[%add3A_8, %dma_start3A_26] : memref<5248x128xf32, #tpu.memory_space<vmem_shared>> -> memref<128x128xf32, #tpu.memory_space<vmem_shared>>
      %dma_start3A_28 = arith.constant 0 : i32
      %dma_start3A_29 = tpu.memref_slice %arg17[%add3A_8, %dma_start3A_28] : memref<5248x128xf32, #tpu.memory_space<vmem_shared>> -> memref<128x128xf32, #tpu.memory_space<vmem_shared>>
      %dma_start3A_30 = arith.constant 0 : i32
      %dma_start3A_31 = arith.constant 0 : i32
      %dma_start3A_32 = tpu.memref_slice %arg10[%dma_start3A_30, %dma_start3A_31] : memref<128x128xf32, #tpu.memory_space<vmem>> -> memref<128x128xf32, #tpu.memory_space<vmem>>
      tpu.enqueue_dma source(%dma_start3A_32 : memref<128x128xf32, #tpu.memory_space<vmem>>) target(%dma_start3A_29 : memref<128x128xf32, #tpu.memory_space<vmem_shared>>) target_semaphore(%run_scoped3A : memref<!tpu.dma_semaphore, #tpu.memory_space<semaphore_mem>>)
      %dma_wait3A = arith.constant 0 : i32
      %dma_wait3A_33 = arith.constant 0 : i32
      %dma_wait3A_34 = tpu.memref_slice %arg10[%dma_wait3A, %dma_wait3A_33] : memref<128x128xf32, #tpu.memory_space<vmem>> -> memref<128x128xf32, #tpu.memory_space<vmem>>
      %dma_wait3A_35 = arith.constant 0 : i32
      %dma_wait3A_36 = tpu.memref_slice %arg17[%add3A_8, %dma_wait3A_35] : memref<5248x128xf32, #tpu.memory_space<vmem_shared>> -> memref<128x128xf32, #tpu.memory_space<vmem_shared>>
      %dma_wait3A_37 = arith.constant 0 : i32
      %dma_wait3A_38 = tpu.memref_slice %arg17[%add3A_8, %dma_wait3A_37] : memref<5248x128xf32, #tpu.memory_space<vmem_shared>> -> memref<128x128xf32, #tpu.memory_space<vmem_shared>>
      %dma_wait3A_39 = arith.constant 0 : i32
      %dma_wait3A_40 = arith.constant 0 : i32
      %dma_wait3A_41 = tpu.memref_slice %arg10[%dma_wait3A_39, %dma_wait3A_40] : memref<128x128xf32, #tpu.memory_space<vmem>> -> memref<128x128xf32, #tpu.memory_space<vmem>>
      tpu.wait_dma2 semaphore(%run_scoped3A : memref<!tpu.dma_semaphore, #tpu.memory_space<semaphore_mem>>) src(%dma_wait3A_41 : memref<128x128xf32, #tpu.memory_space<vmem>>) dst(%dma_wait3A_38 : memref<128x128xf32, #tpu.memory_space<vmem_shared>>)
      tpu.yield
    }) : () -> ()
    %add3A_9 = arith.constant 128 : i32
    %add3A_10 = arith.addi %mul3A_7, %add3A_9 : i32
    "tpu.region"() ({
      %run_scoped3A = tpu.sem_alloc : memref<!tpu.dma_semaphore, #tpu.memory_space<semaphore_mem>>
      %dma_start3A = arith.constant 0 : i32
      %dma_start3A_24 = arith.constant 0 : i32
      %dma_start3A_25 = tpu.memref_slice %arg10[%dma_start3A, %dma_start3A_24] : memref<128x128xf32, #tpu.memory_space<vmem>> -> memref<128x128xf32, #tpu.memory_space<vmem>>
      %dma_start3A_26 = arith.constant 0 : i32
      %dma_start3A_27 = tpu.memref_slice %arg17[%add3A_10, %dma_start3A_26] : memref<5248x128xf32, #tpu.memory_space<vmem_shared>> -> memref<128x128xf32, #tpu.memory_space<vmem_shared>>
      %dma_start3A_28 = arith.constant 0 : i32
      %dma_start3A_29 = tpu.memref_slice %arg17[%add3A_10, %dma_start3A_28] : memref<5248x128xf32, #tpu.memory_space<vmem_shared>> -> memref<128x128xf32, #tpu.memory_space<vmem_shared>>
      %dma_start3A_30 = arith.constant 0 : i32
      %dma_start3A_31 = arith.constant 0 : i32
      %dma_start3A_32 = tpu.memref_slice %arg10[%dma_start3A_30, %dma_start3A_31] : memref<128x128xf32, #tpu.memory_space<vmem>> -> memref<128x128xf32, #tpu.memory_space<vmem>>
      tpu.enqueue_dma source(%dma_start3A_32 : memref<128x128xf32, #tpu.memory_space<vmem>>) target(%dma_start3A_29 : memref<128x128xf32, #tpu.memory_space<vmem_shared>>) target_semaphore(%run_scoped3A : memref<!tpu.dma_semaphore, #tpu.memory_space<semaphore_mem>>)
      %dma_wait3A = arith.constant 0 : i32
      %dma_wait3A_33 = arith.constant 0 : i32
      %dma_wait3A_34 = tpu.memref_slice %arg10[%dma_wait3A, %dma_wait3A_33] : memref<128x128xf32, #tpu.memory_space<vmem>> -> memref<128x128xf32, #tpu.memory_space<vmem>>
      %dma_wait3A_35 = arith.constant 0 : i32
      %dma_wait3A_36 = tpu.memref_slice %arg17[%add3A_10, %dma_wait3A_35] : memref<5248x128xf32, #tpu.memory_space<vmem_shared>> -> memref<128x128xf32, #tpu.memory_space<vmem_shared>>
      %dma_wait3A_37 = arith.constant 0 : i32
      %dma_wait3A_38 = tpu.memref_slice %arg17[%add3A_10, %dma_wait3A_37] : memref<5248x128xf32, #tpu.memory_space<vmem_shared>> -> memref<128x128xf32, #tpu.memory_space<vmem_shared>>
      %dma_wait3A_39 = arith.constant 0 : i32
      %dma_wait3A_40 = arith.constant 0 : i32
      %dma_wait3A_41 = tpu.memref_slice %arg10[%dma_wait3A_39, %dma_wait3A_40] : memref<128x128xf32, #tpu.memory_space<vmem>> -> memref<128x128xf32, #tpu.memory_space<vmem>>
      tpu.wait_dma2 semaphore(%run_scoped3A : memref<!tpu.dma_semaphore, #tpu.memory_space<semaphore_mem>>) src(%dma_wait3A_41 : memref<128x128xf32, #tpu.memory_space<vmem>>) dst(%dma_wait3A_38 : memref<128x128xf32, #tpu.memory_space<vmem_shared>>)
      tpu.yield
    }) : () -> ()
    %add3A_11 = arith.constant 256 : i32
    %add3A_12 = arith.addi %mul3A_7, %add3A_11 : i32
    "tpu.region"() ({
      %run_scoped3A = tpu.sem_alloc : memref<!tpu.dma_semaphore, #tpu.memory_space<semaphore_mem>>
      %dma_start3A = arith.constant 0 : i32
      %dma_start3A_24 = arith.constant 0 : i32
      %dma_start3A_25 = tpu.memref_slice %arg10[%dma_start3A, %dma_start3A_24] : memref<128x128xf32, #tpu.memory_space<vmem>> -> memref<72x128xf32, #tpu.memory_space<vmem>>
      %dma_start3A_26 = arith.constant 0 : i32
      %dma_start3A_27 = tpu.memref_slice %arg17[%add3A_12, %dma_start3A_26] : memref<5248x128xf32, #tpu.memory_space<vmem_shared>> -> memref<72x128xf32, #tpu.memory_space<vmem_shared>>
      %dma_start3A_28 = arith.constant 0 : i32
      %dma_start3A_29 = tpu.memref_slice %arg17[%add3A_12, %dma_start3A_28] : memref<5248x128xf32, #tpu.memory_space<vmem_shared>> -> memref<72x128xf32, #tpu.memory_space<vmem_shared>>
      %dma_start3A_30 = arith.constant 0 : i32
      %dma_start3A_31 = arith.constant 0 : i32
      %dma_start3A_32 = tpu.memref_slice %arg10[%dma_start3A_30, %dma_start3A_31] : memref<128x128xf32, #tpu.memory_space<vmem>> -> memref<72x128xf32, #tpu.memory_space<vmem>>
      tpu.enqueue_dma source(%dma_start3A_32 : memref<72x128xf32, #tpu.memory_space<vmem>>) target(%dma_start3A_29 : memref<72x128xf32, #tpu.memory_space<vmem_shared>>) target_semaphore(%run_scoped3A : memref<!tpu.dma_semaphore, #tpu.memory_space<semaphore_mem>>)
      %dma_wait3A = arith.constant 0 : i32
      %dma_wait3A_33 = arith.constant 0 : i32
      %dma_wait3A_34 = tpu.memref_slice %arg10[%dma_wait3A, %dma_wait3A_33] : memref<128x128xf32, #tpu.memory_space<vmem>> -> memref<72x128xf32, #tpu.memory_space<vmem>>
      %dma_wait3A_35 = arith.constant 0 : i32
      %dma_wait3A_36 = tpu.memref_slice %arg17[%add3A_12, %dma_wait3A_35] : memref<5248x128xf32, #tpu.memory_space<vmem_shared>> -> memref<72x128xf32, #tpu.memory_space<vmem_shared>>
      %dma_wait3A_37 = arith.constant 0 : i32
      %dma_wait3A_38 = tpu.memref_slice %arg17[%add3A_12, %dma_wait3A_37] : memref<5248x128xf32, #tpu.memory_space<vmem_shared>> -> memref<72x128xf32, #tpu.memory_space<vmem_shared>>
      %dma_wait3A_39 = arith.constant 0 : i32
      %dma_wait3A_40 = arith.constant 0 : i32
      %dma_wait3A_41 = tpu.memref_slice %arg10[%dma_wait3A_39, %dma_wait3A_40] : memref<128x128xf32, #tpu.memory_space<vmem>> -> memref<72x128xf32, #tpu.memory_space<vmem>>
      tpu.wait_dma2 semaphore(%run_scoped3A : memref<!tpu.dma_semaphore, #tpu.memory_space<semaphore_mem>>) src(%dma_wait3A_41 : memref<72x128xf32, #tpu.memory_space<vmem>>) dst(%dma_wait3A_38 : memref<72x128xf32, #tpu.memory_space<vmem_shared>>)
      tpu.yield
    }) : () -> ()
    %barrier3A = arith.constant 0 : index
    tpu.barrier barrier_id(%barrier3A)
    %scan3A_13 = arith.constant 0 : i32
    %scan3A_14 = arith.constant 0 : i32
    %scan3A_15 = arith.constant 160 : i32
    %scan3A_16 = arith.addi %scan3A_14, %scan3A_15 : i32
    %scan3A_17 = arith.constant 1 : i32
    %scan3A_18 = scf.for %scan3A_24 = %scan3A_14 to %scan3A_16 step %scan3A_17 iter_args(%scan3A_25 = %scan3A_13) -> (i32)  : i32 {
      %mul3A_26 = arith.constant 16 : i32
      %mul3A_27 = arith.muli %mul3A_26, %scan3A_24 : i32
      %add3A_28 = arith.addi %arg1, %mul3A_27 : i32
      %mul3A_29 = arith.constant 128 : i32
      %mul3A_30 = arith.muli %add3A_28, %mul3A_29 : i32
      "tpu.region"() ({
        %run_scoped3A = tpu.sem_alloc : memref<!tpu.dma_semaphore, #tpu.memory_space<semaphore_mem>>
        %dma_start3A_52 = tpu.memref_slice %arg5[%mul3A_30] : memref<327680xi32, #tpu.memory_space<hbm>> -> memref<128xi32, #tpu.memory_space<hbm>>
        %dma_start3A_53 = tpu.memref_slice %arg5[%mul3A_30] : memref<327680xi32, #tpu.memory_space<hbm>> -> memref<128xi32, #tpu.memory_space<hbm>>
        tpu.enqueue_dma source(%dma_start3A_53 : memref<128xi32, #tpu.memory_space<hbm>>) target(%arg13 : memref<128xi32, #tpu.memory_space<vmem>>) target_semaphore(%run_scoped3A : memref<!tpu.dma_semaphore, #tpu.memory_space<semaphore_mem>>)
        %dma_wait3A_54 = tpu.memref_slice %arg5[%mul3A_30] : memref<327680xi32, #tpu.memory_space<hbm>> -> memref<128xi32, #tpu.memory_space<hbm>>
        %dma_wait3A_55 = tpu.memref_slice %arg5[%mul3A_30] : memref<327680xi32, #tpu.memory_space<hbm>> -> memref<128xi32, #tpu.memory_space<hbm>>
        tpu.wait_dma2 semaphore(%run_scoped3A : memref<!tpu.dma_semaphore, #tpu.memory_space<semaphore_mem>>) src(%dma_wait3A_55 : memref<128xi32, #tpu.memory_space<hbm>>) dst(%arg13 : memref<128xi32, #tpu.memory_space<vmem>>)
        tpu.yield
      }) : () -> ()
      "tpu.region"() ({
        %run_scoped3A = tpu.sem_alloc : memref<!tpu.dma_semaphore, #tpu.memory_space<semaphore_mem>>
        %dma_start3A_52 = tpu.memref_slice %arg6[%mul3A_30] : memref<327680xi32, #tpu.memory_space<hbm>> -> memref<128xi32, #tpu.memory_space<hbm>>
        %dma_start3A_53 = tpu.memref_slice %arg6[%mul3A_30] : memref<327680xi32, #tpu.memory_space<hbm>> -> memref<128xi32, #tpu.memory_space<hbm>>
        tpu.enqueue_dma source(%dma_start3A_53 : memref<128xi32, #tpu.memory_space<hbm>>) target(%arg14 : memref<128xi32, #tpu.memory_space<vmem>>) target_semaphore(%run_scoped3A : memref<!tpu.dma_semaphore, #tpu.memory_space<semaphore_mem>>)
        %dma_wait3A_54 = tpu.memref_slice %arg6[%mul3A_30] : memref<327680xi32, #tpu.memory_space<hbm>> -> memref<128xi32, #tpu.memory_space<hbm>>
        %dma_wait3A_55 = tpu.memref_slice %arg6[%mul3A_30] : memref<327680xi32, #tpu.memory_space<hbm>> -> memref<128xi32, #tpu.memory_space<hbm>>
        tpu.wait_dma2 semaphore(%run_scoped3A : memref<!tpu.dma_semaphore, #tpu.memory_space<semaphore_mem>>) src(%dma_wait3A_55 : memref<128xi32, #tpu.memory_space<hbm>>) dst(%arg14 : memref<128xi32, #tpu.memory_space<vmem>>)
        tpu.yield
      }) : () -> ()
      %mul3A_31 = arith.constant 327680 : i32
      %mul3A_32 = arith.muli %arg0, %mul3A_31 : i32
      %add3A_33 = arith.addi %mul3A_32, %mul3A_30 : i32
      "tpu.region"() ({
        %run_scoped3A = tpu.sem_alloc : memref<!tpu.dma_semaphore, #tpu.memory_space<semaphore_mem>>
        %dma_start3A_52 = tpu.memref_slice %arg7[%add3A_33] : memref<655360xi32, #tpu.memory_space<hbm>> -> memref<128xi32, #tpu.memory_space<hbm>>
        %dma_start3A_53 = tpu.memref_slice %arg7[%add3A_33] : memref<655360xi32, #tpu.memory_space<hbm>> -> memref<128xi32, #tpu.memory_space<hbm>>
        tpu.enqueue_dma source(%dma_start3A_53 : memref<128xi32, #tpu.memory_space<hbm>>) target(%arg15 : memref<128xi32, #tpu.memory_space<vmem>>) target_semaphore(%run_scoped3A : memref<!tpu.dma_semaphore, #tpu.memory_space<semaphore_mem>>)
        %dma_wait3A_54 = tpu.memref_slice %arg7[%add3A_33] : memref<655360xi32, #tpu.memory_space<hbm>> -> memref<128xi32, #tpu.memory_space<hbm>>
        %dma_wait3A_55 = tpu.memref_slice %arg7[%add3A_33] : memref<655360xi32, #tpu.memory_space<hbm>> -> memref<128xi32, #tpu.memory_space<hbm>>
        tpu.wait_dma2 semaphore(%run_scoped3A : memref<!tpu.dma_semaphore, #tpu.memory_space<semaphore_mem>>) src(%dma_wait3A_55 : memref<128xi32, #tpu.memory_space<hbm>>) dst(%arg15 : memref<128xi32, #tpu.memory_space<vmem>>)
        tpu.yield
      }) : () -> ()
      %dma_start3A = arith.constant 0 : i32
      %dma_start3A_34 = arith.constant 0 : i32
      %dma_start3A_35 = tpu.memref_slice %arg2[%dma_start3A, %dma_start3A_34] : memref<10000x128xf32, #tpu.memory_space<hbm>> -> memref<10000x128xf32, #tpu.memory_space<hbm>>
      tpu.enqueue_indirect_dma source(%dma_start3A_35 : memref<10000x128xf32, #tpu.memory_space<hbm>>) target(%arg10 : memref<128x128xf32, #tpu.memory_space<vmem>>) offsets(%arg13 : memref<128xi32, #tpu.memory_space<vmem>>) semaphore(%arg18 : memref<!tpu.dma_semaphore, #tpu.memory_space<semaphore_mem>>)
      %dma_start3A_36 = arith.constant 0 : i32
      %dma_start3A_37 = arith.constant 0 : i32
      %dma_start3A_38 = tpu.memref_slice %arg3[%dma_start3A_36, %dma_start3A_37] : memref<10000x128xf32, #tpu.memory_space<hbm>> -> memref<10000x128xf32, #tpu.memory_space<hbm>>
      tpu.enqueue_indirect_dma source(%dma_start3A_38 : memref<10000x128xf32, #tpu.memory_space<hbm>>) target(%arg11 : memref<128x128xf32, #tpu.memory_space<vmem>>) offsets(%arg14 : memref<128xi32, #tpu.memory_space<vmem>>) semaphore(%arg19 : memref<!tpu.dma_semaphore, #tpu.memory_space<semaphore_mem>>)
      "tpu.region"() ({
        %run_scoped3A = tpu.sem_alloc : memref<!tpu.dma_semaphore, #tpu.memory_space<semaphore_mem>>
        %dma_start3A_52 = arith.constant 0 : i32
        %dma_start3A_53 = tpu.memref_slice %arg4[%mul3A_30, %dma_start3A_52] : memref<327680x128xf32, #tpu.memory_space<hbm>> -> memref<128x128xf32, #tpu.memory_space<hbm>>
        %dma_start3A_54 = arith.constant 0 : i32
        %dma_start3A_55 = tpu.memref_slice %arg4[%mul3A_30, %dma_start3A_54] : memref<327680x128xf32, #tpu.memory_space<hbm>> -> memref<128x128xf32, #tpu.memory_space<hbm>>
        tpu.enqueue_dma source(%dma_start3A_55 : memref<128x128xf32, #tpu.memory_space<hbm>>) target(%arg12 : memref<128x128xf32, #tpu.memory_space<vmem>>) target_semaphore(%run_scoped3A : memref<!tpu.dma_semaphore, #tpu.memory_space<semaphore_mem>>)
        %dma_wait3A_56 = arith.constant 0 : i32
        %dma_wait3A_57 = tpu.memref_slice %arg4[%mul3A_30, %dma_wait3A_56] : memref<327680x128xf32, #tpu.memory_space<hbm>> -> memref<128x128xf32, #tpu.memory_space<hbm>>
        %dma_wait3A_58 = arith.constant 0 : i32
        %dma_wait3A_59 = tpu.memref_slice %arg4[%mul3A_30, %dma_wait3A_58] : memref<327680x128xf32, #tpu.memory_space<hbm>> -> memref<128x128xf32, #tpu.memory_space<hbm>>
        tpu.wait_dma2 semaphore(%run_scoped3A : memref<!tpu.dma_semaphore, #tpu.memory_space<semaphore_mem>>) src(%dma_wait3A_59 : memref<128x128xf32, #tpu.memory_space<hbm>>) dst(%arg12 : memref<128x128xf32, #tpu.memory_space<vmem>>)
        tpu.yield
      }) : () -> ()
      %dma_wait3A = arith.constant 0 : i32
      %dma_wait3A_39 = arith.constant 0 : i32
      %dma_wait3A_40 = tpu.memref_slice %arg2[%dma_wait3A, %dma_wait3A_39] : memref<10000x128xf32, #tpu.memory_space<hbm>> -> memref<10000x128xf32, #tpu.memory_space<hbm>>
      tpu.wait_indirect_dma semaphore(%arg18 : memref<!tpu.dma_semaphore, #tpu.memory_space<semaphore_mem>>) src(%dma_wait3A_40 : memref<10000x128xf32, #tpu.memory_space<hbm>>) dst(%arg10 : memref<128x128xf32, #tpu.memory_space<vmem>>)
      %dma_wait3A_41 = arith.constant 0 : i32
      %dma_wait3A_42 = arith.constant 0 : i32
      %dma_wait3A_43 = tpu.memref_slice %arg3[%dma_wait3A_41, %dma_wait3A_42] : memref<10000x128xf32, #tpu.memory_space<hbm>> -> memref<10000x128xf32, #tpu.memory_space<hbm>>
      tpu.wait_indirect_dma semaphore(%arg19 : memref<!tpu.dma_semaphore, #tpu.memory_space<semaphore_mem>>) src(%dma_wait3A_43 : memref<10000x128xf32, #tpu.memory_space<hbm>>) dst(%arg11 : memref<128x128xf32, #tpu.memory_space<vmem>>)
      %scan3A_44 = arith.constant 0 : i32
      %scan3A_45 = arith.constant 0 : i32
      %scan3A_46 = arith.constant 128 : i32
      %scan3A_47 = arith.addi %scan3A_45, %scan3A_46 : i32
      %scan3A_48 = arith.constant 1 : i32
      %scan3A_49 = scf.for %scan3A_52 = %scan3A_45 to %scan3A_47 step %scan3A_48 iter_args(%scan3A_53 = %scan3A_44) -> (i32)  : i32 {
        %get3A = arith.index_cast %scan3A_52 : i32 to index
        %get3A_54 = arith.constant 0 : index
        %get3A_55 = tpu.vector_load %arg10[%get3A, %get3A_54] {strides = array<i32>} : memref<128x128xf32, #tpu.memory_space<vmem>>, vector<1x16xf32>,
        %get3A_56 = vector.shape_cast %get3A_55 : vector<1x16xf32> to vector<16xf32>
        %get3A_57 = arith.index_cast %scan3A_52 : i32 to index
        %get3A_58 = arith.constant 0 : index
        %get3A_59 = tpu.vector_load %arg11[%get3A_57, %get3A_58] {strides = array<i32>} : memref<128x128xf32, #tpu.memory_space<vmem>>, vector<1x16xf32>,
        %get3A_60 = vector.shape_cast %get3A_59 : vector<1x16xf32> to vector<16xf32>
        %add3A_61 = arith.addf %get3A_56, %get3A_60 : vector<16xf32>
        %get3A_62 = arith.index_cast %scan3A_52 : i32 to index
        %get3A_63 = arith.constant 0 : index
        %get3A_64 = tpu.vector_load %arg12[%get3A_62, %get3A_63] {strides = array<i32>} : memref<128x128xf32, #tpu.memory_space<vmem>>, vector<1x16xf32>,
        %get3A_65 = vector.shape_cast %get3A_64 : vector<1x16xf32> to vector<16xf32>
        %add3A_66 = arith.addf %add3A_61, %get3A_65 : vector<16xf32>
        %max3A = arith.constant 0.000000e+00 : f32
        %max3A_67 = vector.broadcast %max3A : f32 to vector<16xf32>
        %max3A_68 = arith.maximumf %add3A_66, %max3A_67 : vector<16xf32>
        %get3A_69 = arith.constant 0 : index
        %get3A_70 = tpu.vector_load %arg16[%get3A_69] {strides = array<i32>} : memref<128xf32, #tpu.memory_space<vmem>>, vector<16xf32>,
        %get3A_71 = vector.shape_cast %get3A_70 : vector<16xf32> to vector<16xf32>
        %add3A_72 = arith.addf %max3A_68, %get3A_71 : vector<16xf32>
        %swap3A = arith.index_cast %scan3A_52 : i32 to index
        %swap3A_73 = arith.constant 0 : index
        %swap3A_74 = tpu.vector_load %arg12[%swap3A, %swap3A_73] {strides = array<i32>} : memref<128x128xf32, #tpu.memory_space<vmem>>, vector<1x16xf32>,
        %swap3A_75 = vector.shape_cast %swap3A_74 : vector<1x16xf32> to vector<16xf32>
        %swap3A_76 = vector.shape_cast %add3A_72 : vector<16xf32> to vector<1x16xf32>
        tpu.vector_store %arg12[%swap3A, %swap3A_73], %swap3A_76 {strides = array<i32>} : memref<128x128xf32, #tpu.memory_space<vmem>>, vector<1x16xf32>,
        %get3A_77 = arith.index_cast %scan3A_52 : i32 to index
        %get3A_78 = arith.constant 16 : index
        %get3A_79 = tpu.vector_load %arg10[%get3A_77, %get3A_78] {strides = array<i32>} : memref<128x128xf32, #tpu.memory_space<vmem>>, vector<1x16xf32>,
        %get3A_80 = vector.shape_cast %get3A_79 : vector<1x16xf32> to vector<16xf32>
        %get3A_81 = arith.index_cast %scan3A_52 : i32 to index
        %get3A_82 = arith.constant 16 : index
        %get3A_83 = tpu.vector_load %arg11[%get3A_81, %get3A_82] {strides = array<i32>} : memref<128x128xf32, #tpu.memory_space<vmem>>, vector<1x16xf32>,
        %get3A_84 = vector.shape_cast %get3A_83 : vector<1x16xf32> to vector<16xf32>
        %add3A_85 = arith.addf %get3A_80, %get3A_84 : vector<16xf32>
        %get3A_86 = arith.index_cast %scan3A_52 : i32 to index
        %get3A_87 = arith.constant 16 : index
        %get3A_88 = tpu.vector_load %arg12[%get3A_86, %get3A_87] {strides = array<i32>} : memref<128x128xf32, #tpu.memory_space<vmem>>, vector<1x16xf32>,
        %get3A_89 = vector.shape_cast %get3A_88 : vector<1x16xf32> to vector<16xf32>
        %add3A_90 = arith.addf %add3A_85, %get3A_89 : vector<16xf32>
        %max3A_91 = arith.constant 0.000000e+00 : f32
        %max3A_92 = vector.broadcast %max3A_91 : f32 to vector<16xf32>
        %max3A_93 = arith.maximumf %add3A_90, %max3A_92 : vector<16xf32>
        %get3A_94 = arith.constant 16 : index
        %get3A_95 = tpu.vector_load %arg16[%get3A_94] {strides = array<i32>} : memref<128xf32, #tpu.memory_space<vmem>>, vector<16xf32>,
        %get3A_96 = vector.shape_cast %get3A_95 : vector<16xf32> to vector<16xf32>
        %add3A_97 = arith.addf %max3A_93, %get3A_96 : vector<16xf32>
        %swap3A_98 = arith.index_cast %scan3A_52 : i32 to index
        %swap3A_99 = arith.constant 16 : index
        %swap3A_100 = tpu.vector_load %arg12[%swap3A_98, %swap3A_99] {strides = array<i32>} : memref<128x128xf32, #tpu.memory_space<vmem>>, vector<1x16xf32>,
        %swap3A_101 = vector.shape_cast %swap3A_100 : vector<1x16xf32> to vector<16xf32>
        %swap3A_102 = vector.shape_cast %add3A_97 : vector<16xf32> to vector<1x16xf32>
        tpu.vector_store %arg12[%swap3A_98, %swap3A_99], %swap3A_102 {strides = array<i32>} : memref<128x128xf32, #tpu.memory_space<vmem>>, vector<1x16xf32>,
        %get3A_103 = arith.index_cast %scan3A_52 : i32 to index
        %get3A_104 = arith.constant 32 : index
        %get3A_105 = tpu.vector_load %arg10[%get3A_103, %get3A_104] {strides = array<i32>} : memref<128x128xf32, #tpu.memory_space<vmem>>, vector<1x16xf32>,
        %get3A_106 = vector.shape_cast %get3A_105 : vector<1x16xf32> to vector<16xf32>
        %get3A_107 = arith.index_cast %scan3A_52 : i32 to index
        %get3A_108 = arith.constant 32 : index
        %get3A_109 = tpu.vector_load %arg11[%get3A_107, %get3A_108] {strides = array<i32>} : memref<128x128xf32, #tpu.memory_space<vmem>>, vector<1x16xf32>,
        %get3A_110 = vector.shape_cast %get3A_109 : vector<1x16xf32> to vector<16xf32>
        %add3A_111 = arith.addf %get3A_106, %get3A_110 : vector<16xf32>
        %get3A_112 = arith.index_cast %scan3A_52 : i32 to index
        %get3A_113 = arith.constant 32 : index
        %get3A_114 = tpu.vector_load %arg12[%get3A_112, %get3A_113] {strides = array<i32>} : memref<128x128xf32, #tpu.memory_space<vmem>>, vector<1x16xf32>,
        %get3A_115 = vector.shape_cast %get3A_114 : vector<1x16xf32> to vector<16xf32>
        %add3A_116 = arith.addf %add3A_111, %get3A_115 : vector<16xf32>
        %max3A_117 = arith.constant 0.000000e+00 : f32
        %max3A_118 = vector.broadcast %max3A_117 : f32 to vector<16xf32>
        %max3A_119 = arith.maximumf %add3A_116, %max3A_118 : vector<16xf32>
        %get3A_120 = arith.constant 32 : index
        %get3A_121 = tpu.vector_load %arg16[%get3A_120] {strides = array<i32>} : memref<128xf32, #tpu.memory_space<vmem>>, vector<16xf32>,
        %get3A_122 = vector.shape_cast %get3A_121 : vector<16xf32> to vector<16xf32>
        %add3A_123 = arith.addf %max3A_119, %get3A_122 : vector<16xf32>
        %swap3A_124 = arith.index_cast %scan3A_52 : i32 to index
        %swap3A_125 = arith.constant 32 : index
        %swap3A_126 = tpu.vector_load %arg12[%swap3A_124, %swap3A_125] {strides = array<i32>} : memref<128x128xf32, #tpu.memory_space<vmem>>, vector<1x16xf32>,
        %swap3A_127 = vector.shape_cast %swap3A_126 : vector<1x16xf32> to vector<16xf32>
        %swap3A_128 = vector.shape_cast %add3A_123 : vector<16xf32> to vector<1x16xf32>
        tpu.vector_store %arg12[%swap3A_124, %swap3A_125], %swap3A_128 {strides = array<i32>} : memref<128x128xf32, #tpu.memory_space<vmem>>, vector<1x16xf32>,
        %get3A_129 = arith.index_cast %scan3A_52 : i32 to index
        %get3A_130 = arith.constant 48 : index
        %get3A_131 = tpu.vector_load %arg10[%get3A_129, %get3A_130] {strides = array<i32>} : memref<128x128xf32, #tpu.memory_space<vmem>>, vector<1x16xf32>,
        %get3A_132 = vector.shape_cast %get3A_131 : vector<1x16xf32> to vector<16xf32>
        %get3A_133 = arith.index_cast %scan3A_52 : i32 to index
        %get3A_134 = arith.constant 48 : index
        %get3A_135 = tpu.vector_load %arg11[%get3A_133, %get3A_134] {strides = array<i32>} : memref<128x128xf32, #tpu.memory_space<vmem>>, vector<1x16xf32>,
        %get3A_136 = vector.shape_cast %get3A_135 : vector<1x16xf32> to vector<16xf32>
        %add3A_137 = arith.addf %get3A_132, %get3A_136 : vector<16xf32>
        %get3A_138 = arith.index_cast %scan3A_52 : i32 to index
        %get3A_139 = arith.constant 48 : index
        %get3A_140 = tpu.vector_load %arg12[%get3A_138, %get3A_139] {strides = array<i32>} : memref<128x128xf32, #tpu.memory_space<vmem>>, vector<1x16xf32>,
        %get3A_141 = vector.shape_cast %get3A_140 : vector<1x16xf32> to vector<16xf32>
        %add3A_142 = arith.addf %add3A_137, %get3A_141 : vector<16xf32>
        %max3A_143 = arith.constant 0.000000e+00 : f32
        %max3A_144 = vector.broadcast %max3A_143 : f32 to vector<16xf32>
        %max3A_145 = arith.maximumf %add3A_142, %max3A_144 : vector<16xf32>
        %get3A_146 = arith.constant 48 : index
        %get3A_147 = tpu.vector_load %arg16[%get3A_146] {strides = array<i32>} : memref<128xf32, #tpu.memory_space<vmem>>, vector<16xf32>,
        %get3A_148 = vector.shape_cast %get3A_147 : vector<16xf32> to vector<16xf32>
        %add3A_149 = arith.addf %max3A_145, %get3A_148 : vector<16xf32>
        %swap3A_150 = arith.index_cast %scan3A_52 : i32 to index
        %swap3A_151 = arith.constant 48 : index
        %swap3A_152 = tpu.vector_load %arg12[%swap3A_150, %swap3A_151] {strides = array<i32>} : memref<128x128xf32, #tpu.memory_space<vmem>>, vector<1x16xf32>,
        %swap3A_153 = vector.shape_cast %swap3A_152 : vector<1x16xf32> to vector<16xf32>
        %swap3A_154 = vector.shape_cast %add3A_149 : vector<16xf32> to vector<1x16xf32>
        tpu.vector_store %arg12[%swap3A_150, %swap3A_151], %swap3A_154 {strides = array<i32>} : memref<128x128xf32, #tpu.memory_space<vmem>>, vector<1x16xf32>,
        %get3A_155 = arith.index_cast %scan3A_52 : i32 to index
        %get3A_156 = arith.constant 64 : index
        %get3A_157 = tpu.vector_load %arg10[%get3A_155, %get3A_156] {strides = array<i32>} : memref<128x128xf32, #tpu.memory_space<vmem>>, vector<1x16xf32>,
        %get3A_158 = vector.shape_cast %get3A_157 : vector<1x16xf32> to vector<16xf32>
        %get3A_159 = arith.index_cast %scan3A_52 : i32 to index
        %get3A_160 = arith.constant 64 : index
        %get3A_161 = tpu.vector_load %arg11[%get3A_159, %get3A_160] {strides = array<i32>} : memref<128x128xf32, #tpu.memory_space<vmem>>, vector<1x16xf32>,
        %get3A_162 = vector.shape_cast %get3A_161 : vector<1x16xf32> to vector<16xf32>
        %add3A_163 = arith.addf %get3A_158, %get3A_162 : vector<16xf32>
        %get3A_164 = arith.index_cast %scan3A_52 : i32 to index
        %get3A_165 = arith.constant 64 : index
        %get3A_166 = tpu.vector_load %arg12[%get3A_164, %get3A_165] {strides = array<i32>} : memref<128x128xf32, #tpu.memory_space<vmem>>, vector<1x16xf32>,
        %get3A_167 = vector.shape_cast %get3A_166 : vector<1x16xf32> to vector<16xf32>
        %add3A_168 = arith.addf %add3A_163, %get3A_167 : vector<16xf32>
        %max3A_169 = arith.constant 0.000000e+00 : f32
        %max3A_170 = vector.broadcast %max3A_169 : f32 to vector<16xf32>
        %max3A_171 = arith.maximumf %add3A_168, %max3A_170 : vector<16xf32>
        %get3A_172 = arith.constant 64 : index
        %get3A_173 = tpu.vector_load %arg16[%get3A_172] {strides = array<i32>} : memref<128xf32, #tpu.memory_space<vmem>>, vector<16xf32>,
        %get3A_174 = vector.shape_cast %get3A_173 : vector<16xf32> to vector<16xf32>
        %add3A_175 = arith.addf %max3A_171, %get3A_174 : vector<16xf32>
        %swap3A_176 = arith.index_cast %scan3A_52 : i32 to index
        %swap3A_177 = arith.constant 64 : index
        %swap3A_178 = tpu.vector_load %arg12[%swap3A_176, %swap3A_177] {strides = array<i32>} : memref<128x128xf32, #tpu.memory_space<vmem>>, vector<1x16xf32>,
        %swap3A_179 = vector.shape_cast %swap3A_178 : vector<1x16xf32> to vector<16xf32>
        %swap3A_180 = vector.shape_cast %add3A_175 : vector<16xf32> to vector<1x16xf32>
        tpu.vector_store %arg12[%swap3A_176, %swap3A_177], %swap3A_180 {strides = array<i32>} : memref<128x128xf32, #tpu.memory_space<vmem>>, vector<1x16xf32>,
        %get3A_181 = arith.index_cast %scan3A_52 : i32 to index
        %get3A_182 = arith.constant 80 : index
        %get3A_183 = tpu.vector_load %arg10[%get3A_181, %get3A_182] {strides = array<i32>} : memref<128x128xf32, #tpu.memory_space<vmem>>, vector<1x16xf32>,
        %get3A_184 = vector.shape_cast %get3A_183 : vector<1x16xf32> to vector<16xf32>
        %get3A_185 = arith.index_cast %scan3A_52 : i32 to index
        %get3A_186 = arith.constant 80 : index
        %get3A_187 = tpu.vector_load %arg11[%get3A_185, %get3A_186] {strides = array<i32>} : memref<128x128xf32, #tpu.memory_space<vmem>>, vector<1x16xf32>,
        %get3A_188 = vector.shape_cast %get3A_187 : vector<1x16xf32> to vector<16xf32>
        %add3A_189 = arith.addf %get3A_184, %get3A_188 : vector<16xf32>
        %get3A_190 = arith.index_cast %scan3A_52 : i32 to index
        %get3A_191 = arith.constant 80 : index
        %get3A_192 = tpu.vector_load %arg12[%get3A_190, %get3A_191] {strides = array<i32>} : memref<128x128xf32, #tpu.memory_space<vmem>>, vector<1x16xf32>,
        %get3A_193 = vector.shape_cast %get3A_192 : vector<1x16xf32> to vector<16xf32>
        %add3A_194 = arith.addf %add3A_189, %get3A_193 : vector<16xf32>
        %max3A_195 = arith.constant 0.000000e+00 : f32
        %max3A_196 = vector.broadcast %max3A_195 : f32 to vector<16xf32>
        %max3A_197 = arith.maximumf %add3A_194, %max3A_196 : vector<16xf32>
        %get3A_198 = arith.constant 80 : index
        %get3A_199 = tpu.vector_load %arg16[%get3A_198] {strides = array<i32>} : memref<128xf32, #tpu.memory_space<vmem>>, vector<16xf32>,
        %get3A_200 = vector.shape_cast %get3A_199 : vector<16xf32> to vector<16xf32>
        %add3A_201 = arith.addf %max3A_197, %get3A_200 : vector<16xf32>
        %swap3A_202 = arith.index_cast %scan3A_52 : i32 to index
        %swap3A_203 = arith.constant 80 : index
        %swap3A_204 = tpu.vector_load %arg12[%swap3A_202, %swap3A_203] {strides = array<i32>} : memref<128x128xf32, #tpu.memory_space<vmem>>, vector<1x16xf32>,
        %swap3A_205 = vector.shape_cast %swap3A_204 : vector<1x16xf32> to vector<16xf32>
        %swap3A_206 = vector.shape_cast %add3A_201 : vector<16xf32> to vector<1x16xf32>
        tpu.vector_store %arg12[%swap3A_202, %swap3A_203], %swap3A_206 {strides = array<i32>} : memref<128x128xf32, #tpu.memory_space<vmem>>, vector<1x16xf32>,
        %get3A_207 = arith.index_cast %scan3A_52 : i32 to index
        %get3A_208 = arith.constant 96 : index
        %get3A_209 = tpu.vector_load %arg10[%get3A_207, %get3A_208] {strides = array<i32>} : memref<128x128xf32, #tpu.memory_space<vmem>>, vector<1x16xf32>,
        %get3A_210 = vector.shape_cast %get3A_209 : vector<1x16xf32> to vector<16xf32>
        %get3A_211 = arith.index_cast %scan3A_52 : i32 to index
        %get3A_212 = arith.constant 96 : index
        %get3A_213 = tpu.vector_load %arg11[%get3A_211, %get3A_212] {strides = array<i32>} : memref<128x128xf32, #tpu.memory_space<vmem>>, vector<1x16xf32>,
        %get3A_214 = vector.shape_cast %get3A_213 : vector<1x16xf32> to vector<16xf32>
        %add3A_215 = arith.addf %get3A_210, %get3A_214 : vector<16xf32>
        %get3A_216 = arith.index_cast %scan3A_52 : i32 to index
        %get3A_217 = arith.constant 96 : index
        %get3A_218 = tpu.vector_load %arg12[%get3A_216, %get3A_217] {strides = array<i32>} : memref<128x128xf32, #tpu.memory_space<vmem>>, vector<1x16xf32>,
        %get3A_219 = vector.shape_cast %get3A_218 : vector<1x16xf32> to vector<16xf32>
        %add3A_220 = arith.addf %add3A_215, %get3A_219 : vector<16xf32>
        %max3A_221 = arith.constant 0.000000e+00 : f32
        %max3A_222 = vector.broadcast %max3A_221 : f32 to vector<16xf32>
        %max3A_223 = arith.maximumf %add3A_220, %max3A_222 : vector<16xf32>
        %get3A_224 = arith.constant 96 : index
        %get3A_225 = tpu.vector_load %arg16[%get3A_224] {strides = array<i32>} : memref<128xf32, #tpu.memory_space<vmem>>, vector<16xf32>,
        %get3A_226 = vector.shape_cast %get3A_225 : vector<16xf32> to vector<16xf32>
        %add3A_227 = arith.addf %max3A_223, %get3A_226 : vector<16xf32>
        %swap3A_228 = arith.index_cast %scan3A_52 : i32 to index
        %swap3A_229 = arith.constant 96 : index
        %swap3A_230 = tpu.vector_load %arg12[%swap3A_228, %swap3A_229] {strides = array<i32>} : memref<128x128xf32, #tpu.memory_space<vmem>>, vector<1x16xf32>,
        %swap3A_231 = vector.shape_cast %swap3A_230 : vector<1x16xf32> to vector<16xf32>
        %swap3A_232 = vector.shape_cast %add3A_227 : vector<16xf32> to vector<1x16xf32>
        tpu.vector_store %arg12[%swap3A_228, %swap3A_229], %swap3A_232 {strides = array<i32>} : memref<128x128xf32, #tpu.memory_space<vmem>>, vector<1x16xf32>,
        %get3A_233 = arith.index_cast %scan3A_52 : i32 to index
        %get3A_234 = arith.constant 112 : index
        %get3A_235 = tpu.vector_load %arg10[%get3A_233, %get3A_234] {strides = array<i32>} : memref<128x128xf32, #tpu.memory_space<vmem>>, vector<1x16xf32>,
        %get3A_236 = vector.shape_cast %get3A_235 : vector<1x16xf32> to vector<16xf32>
        %get3A_237 = arith.index_cast %scan3A_52 : i32 to index
        %get3A_238 = arith.constant 112 : index
        %get3A_239 = tpu.vector_load %arg11[%get3A_237, %get3A_238] {strides = array<i32>} : memref<128x128xf32, #tpu.memory_space<vmem>>, vector<1x16xf32>,
        %get3A_240 = vector.shape_cast %get3A_239 : vector<1x16xf32> to vector<16xf32>
        %add3A_241 = arith.addf %get3A_236, %get3A_240 : vector<16xf32>
        %get3A_242 = arith.index_cast %scan3A_52 : i32 to index
        %get3A_243 = arith.constant 112 : index
        %get3A_244 = tpu.vector_load %arg12[%get3A_242, %get3A_243] {strides = array<i32>} : memref<128x128xf32, #tpu.memory_space<vmem>>, vector<1x16xf32>,
        %get3A_245 = vector.shape_cast %get3A_244 : vector<1x16xf32> to vector<16xf32>
        %add3A_246 = arith.addf %add3A_241, %get3A_245 : vector<16xf32>
        %max3A_247 = arith.constant 0.000000e+00 : f32
        %max3A_248 = vector.broadcast %max3A_247 : f32 to vector<16xf32>
        %max3A_249 = arith.maximumf %add3A_246, %max3A_248 : vector<16xf32>
        %get3A_250 = arith.constant 112 : index
        %get3A_251 = tpu.vector_load %arg16[%get3A_250] {strides = array<i32>} : memref<128xf32, #tpu.memory_space<vmem>>, vector<16xf32>,
        %get3A_252 = vector.shape_cast %get3A_251 : vector<16xf32> to vector<16xf32>
        %add3A_253 = arith.addf %max3A_249, %get3A_252 : vector<16xf32>
        %swap3A_254 = arith.index_cast %scan3A_52 : i32 to index
        %swap3A_255 = arith.constant 112 : index
        %swap3A_256 = tpu.vector_load %arg12[%swap3A_254, %swap3A_255] {strides = array<i32>} : memref<128x128xf32, #tpu.memory_space<vmem>>, vector<1x16xf32>,
        %swap3A_257 = vector.shape_cast %swap3A_256 : vector<1x16xf32> to vector<16xf32>
        %swap3A_258 = vector.shape_cast %add3A_253 : vector<16xf32> to vector<1x16xf32>
        tpu.vector_store %arg12[%swap3A_254, %swap3A_255], %swap3A_258 {strides = array<i32>} : memref<128x128xf32, #tpu.memory_space<vmem>>, vector<1x16xf32>,
        %scan3A_259 = arith.constant 0 : i32
        scf.yield %scan3A_259 : i32
      }
      %scan3A_50 = arith.constant 128 : i32
      "tpu.region"() ({
        %run_scoped3A = tpu.sem_alloc : memref<!tpu.dma_semaphore, #tpu.memory_space<semaphore_mem>>
        %dma_start3A_52 = arith.constant 0 : i32
        %dma_start3A_53 = arith.constant 0 : i32
        %dma_start3A_54 = tpu.memref_slice %arg17[%dma_start3A_52, %dma_start3A_53] : memref<5248x128xf32, #tpu.memory_space<vmem_shared>> -> memref<5248x128xf32, #tpu.memory_space<vmem_shared>>
        tpu.enqueue_indirect_dma source(%arg12 : memref<128x128xf32, #tpu.memory_space<vmem>>) target(%dma_start3A_54 : memref<5248x128xf32, #tpu.memory_space<vmem_shared>>) offsets(%arg15 : memref<128xi32, #tpu.memory_space<vmem>>) semaphore(%run_scoped3A : memref<!tpu.dma_semaphore, #tpu.memory_space<semaphore_mem>>) {add = true}
        %dma_wait3A_55 = arith.constant 0 : i32
        %dma_wait3A_56 = arith.constant 0 : i32
        %dma_wait3A_57 = tpu.memref_slice %arg17[%dma_wait3A_55, %dma_wait3A_56] : memref<5248x128xf32, #tpu.memory_space<vmem_shared>> -> memref<5248x128xf32, #tpu.memory_space<vmem_shared>>
        tpu.wait_indirect_dma semaphore(%run_scoped3A : memref<!tpu.dma_semaphore, #tpu.memory_space<semaphore_mem>>) src(%arg12 : memref<128x128xf32, #tpu.memory_space<vmem>>) dst(%dma_wait3A_57 : memref<5248x128xf32, #tpu.memory_space<vmem_shared>>)
        tpu.yield
      }) : () -> ()
      %scan3A_51 = arith.constant 0 : i32
      scf.yield %scan3A_51 : i32
    }
    %scan3A_19 = arith.constant 160 : i32
    %barrier3A_20 = arith.constant 0 : index
    tpu.barrier barrier_id(%barrier3A_20)
    %mul3A_21 = arith.constant 5248 : i32
    %mul3A_22 = arith.muli %arg0, %mul3A_21 : i32
    %add3A_23 = arith.addi %mul3A_22, %mul3A_7 : i32
    "tpu.region"() ({
      %run_scoped3A = tpu.sem_alloc : memref<!tpu.dma_semaphore, #tpu.memory_space<semaphore_mem>>
      %dma_start3A = arith.constant 0 : i32
      %dma_start3A_24 = tpu.memref_slice %arg9[%add3A_23, %dma_start3A] : memref<10496x128xf32, #tpu.memory_space<hbm>> -> memref<328x128xf32, #tpu.memory_space<hbm>>
      %dma_start3A_25 = arith.constant 0 : i32
      %dma_start3A_26 = tpu.memref_slice %arg17[%mul3A_7, %dma_start3A_25] : memref<5248x128xf32, #tpu.memory_space<vmem_shared>> -> memref<328x128xf32, #tpu.memory_space<vmem_shared>>
      tpu.enqueue_dma source(%dma_start3A_26 : memref<328x128xf32, #tpu.memory_space<vmem_shared>>) target(%dma_start3A_24 : memref<328x128xf32, #tpu.memory_space<hbm>>) target_semaphore(%run_scoped3A : memref<!tpu.dma_semaphore, #tpu.memory_space<semaphore_mem>>)
      %dma_wait3A = arith.constant 0 : i32
      %dma_wait3A_27 = tpu.memref_slice %arg9[%add3A_23, %dma_wait3A] : memref<10496x128xf32, #tpu.memory_space<hbm>> -> memref<328x128xf32, #tpu.memory_space<hbm>>
      %dma_wait3A_28 = arith.constant 0 : i32
      %dma_wait3A_29 = tpu.memref_slice %arg17[%mul3A_7, %dma_wait3A_28] : memref<5248x128xf32, #tpu.memory_space<vmem_shared>> -> memref<328x128xf32, #tpu.memory_space<vmem_shared>>
      tpu.wait_dma2 semaphore(%run_scoped3A : memref<!tpu.dma_semaphore, #tpu.memory_space<semaphore_mem>>) src(%dma_wait3A_29 : memref<328x128xf32, #tpu.memory_space<vmem_shared>>) dst(%dma_wait3A_27 : memref<328x128xf32, #tpu.memory_space<hbm>>)
      tpu.yield
    }) : () -> ()
    return
  }
}

module attributes {stable_mosaic.version = 14 : i64} {
  func.func @_proj_body(%arg0: i32, %arg1: memref<2000x128xf32, #tpu.memory_space<vmem>>, %arg2: memref<128x128xf32, #tpu.memory_space<vmem>>, %arg3: memref<128x128xf32, #tpu.memory_space<vmem>>, %arg4: memref<2000x128xf32, #tpu.memory_space<vmem>>, %arg5: memref<2000x128xf32, #tpu.memory_space<vmem>>) attributes {dimension_semantics = [#tpu.dimension_semantics<arbitrary>], iteration_bounds = array<i64: 5>, scalar_prefetch = 0 : i64, scratch_operands = 0 : i64, tpu.core_type = #tpu.core_type<tc>, window_params = [{transform_indices = @transform_0, window_bounds = array<i64: 2000, 128>}, {pipeline_mode = #tpu.pipeline_mode<synchronous>, transform_indices = @transform_1, window_bounds = array<i64: 128, 128>}, {pipeline_mode = #tpu.pipeline_mode<synchronous>, transform_indices = @transform_2, window_bounds = array<i64: 128, 128>}, {transform_indices = @transform_3, window_bounds = array<i64: 2000, 128>}, {transform_indices = @transform_4, window_bounds = array<i64: 2000, 128>}]} {
    %get3A = arith.constant 0 : index
    %get3A_0 = arith.constant 0 : index
    %get3A_1 = vector.load %arg1[%get3A, %get3A_0] : memref<2000x128xf32, #tpu.memory_space<vmem>>, vector<2000x128xf32>
    %get3A_2 = arith.constant 0 : index
    %get3A_3 = arith.constant 0 : index
    %get3A_4 = vector.load %arg2[%get3A_2, %get3A_3] : memref<128x128xf32, #tpu.memory_space<vmem>>, vector<128x128xf32>
    %dot_general3A = arith.constant dense<0.000000e+00> : vector<2000x128xf32>
    %dot_general3A_5 = tpu.matmul %get3A_1, %get3A_4, %dot_general3A {dimension_numbers = #tpu.dot_dimension_numbers<[1], [0], [0], [1], [0, 0, 1, 1], [], []>, precision = #tpu.contract_precision<fp32>, transpose_lhs_hint = false} : vector<2000x128xf32>, vector<128x128xf32>, vector<2000x128xf32> -> vector<2000x128xf32>
    %swap3A = arith.constant 0 : index
    %swap3A_6 = arith.constant 0 : index
    %swap3A_7 = vector.load %arg4[%swap3A, %swap3A_6] : memref<2000x128xf32, #tpu.memory_space<vmem>>, vector<2000x128xf32>
    tpu.vector_store %arg4[%swap3A, %swap3A_6], %dot_general3A_5 {strides = array<i32>} : memref<2000x128xf32, #tpu.memory_space<vmem>>, vector<2000x128xf32>,
    %get3A_8 = arith.constant 0 : index
    %get3A_9 = arith.constant 0 : index
    %get3A_10 = vector.load %arg3[%get3A_8, %get3A_9] : memref<128x128xf32, #tpu.memory_space<vmem>>, vector<128x128xf32>
    %dot_general3A_11 = arith.constant dense<0.000000e+00> : vector<2000x128xf32>
    %dot_general3A_12 = tpu.matmul %get3A_1, %get3A_10, %dot_general3A_11 {dimension_numbers = #tpu.dot_dimension_numbers<[1], [0], [0], [1], [0, 0, 1, 1], [], []>, precision = #tpu.contract_precision<fp32>, transpose_lhs_hint = false} : vector<2000x128xf32>, vector<128x128xf32>, vector<2000x128xf32> -> vector<2000x128xf32>
    %swap3A_13 = arith.constant 0 : index
    %swap3A_14 = arith.constant 0 : index
    %swap3A_15 = vector.load %arg5[%swap3A_13, %swap3A_14] : memref<2000x128xf32, #tpu.memory_space<vmem>>, vector<2000x128xf32>
    tpu.vector_store %arg5[%swap3A_13, %swap3A_14], %dot_general3A_12 {strides = array<i32>} : memref<2000x128xf32, #tpu.memory_space<vmem>>, vector<2000x128xf32>,
    return
  }
  func.func @transform_0(%arg0: i32) -> (i32, i32) {
    %c0_i32 = arith.constant 0 : i32
    %c0_i32_0 = arith.constant 0 : i32
    return %arg0, %c0_i32 : i32, i32
  }
  func.func @transform_1(%arg0: i32) -> (i32, i32) {
    %c0_i32 = arith.constant 0 : i32
    %c0_i32_0 = arith.constant 0 : i32
    %c0_i32_1 = arith.constant 0 : i32
    return %c0_i32, %c0_i32_0 : i32, i32
  }
  func.func @transform_2(%arg0: i32) -> (i32, i32) {
    %c0_i32 = arith.constant 0 : i32
    %c0_i32_0 = arith.constant 0 : i32
    %c0_i32_1 = arith.constant 0 : i32
    return %c0_i32, %c0_i32_0 : i32, i32
  }
  func.func @transform_3(%arg0: i32) -> (i32, i32) {
    %c0_i32 = arith.constant 0 : i32
    %c0_i32_0 = arith.constant 0 : i32
    return %arg0, %c0_i32 : i32, i32
  }
  func.func @transform_4(%arg0: i32) -> (i32, i32) {
    %c0_i32 = arith.constant 0 : i32
    %c0_i32_0 = arith.constant 0 : i32
    return %arg0, %c0_i32 : i32, i32
  }
}

module attributes {stable_mosaic.version = 14 : i64} {
  func.func @_edge_body(%arg0: i32, %arg1: memref<8000x16xf32, #tpu.memory_space<vmem>>, %arg2: memref<16x128xf32, #tpu.memory_space<vmem>>, %arg3: memref<1x128xf32, #tpu.memory_space<vmem>>, %arg4: memref<8000x128xf32, #tpu.memory_space<vmem>>) attributes {dimension_semantics = [#tpu.dimension_semantics<arbitrary>], iteration_bounds = array<i64: 40>, scalar_prefetch = 0 : i64, scratch_operands = 0 : i64, tpu.core_type = #tpu.core_type<tc>, window_params = [{transform_indices = @transform_0, window_bounds = array<i64: 8000, 16>}, {pipeline_mode = #tpu.pipeline_mode<synchronous>, transform_indices = @transform_1, window_bounds = array<i64: 16, 128>}, {pipeline_mode = #tpu.pipeline_mode<synchronous>, transform_indices = @transform_2, window_bounds = array<i64: 1, 128>}, {transform_indices = @transform_3, window_bounds = array<i64: 8000, 128>}]} {
    %get3A = arith.constant 0 : index
    %get3A_0 = arith.constant 0 : index
    %get3A_1 = vector.load %arg1[%get3A, %get3A_0] : memref<8000x16xf32, #tpu.memory_space<vmem>>, vector<8000x16xf32>
    %get3A_2 = arith.constant 0 : index
    %get3A_3 = arith.constant 0 : index
    %get3A_4 = vector.load %arg2[%get3A_2, %get3A_3] : memref<16x128xf32, #tpu.memory_space<vmem>>, vector<16x128xf32>
    %dot_general3A = arith.constant dense<0.000000e+00> : vector<8000x128xf32>
    %dot_general3A_5 = tpu.matmul %get3A_1, %get3A_4, %dot_general3A {dimension_numbers = #tpu.dot_dimension_numbers<[1], [0], [0], [1], [0, 0, 1, 1], [], []>, transpose_lhs_hint = false} : vector<8000x16xf32>, vector<16x128xf32>, vector<8000x128xf32> -> vector<8000x128xf32>
    %get3A_6 = arith.constant 0 : index
    %get3A_7 = arith.constant 0 : index
    %get3A_8 = vector.load %arg3[%get3A_6, %get3A_7] : memref<1x128xf32, #tpu.memory_space<vmem>>, vector<1x128xf32>
    %add3A = vector.broadcast %get3A_8 : vector<1x128xf32> to vector<8000x128xf32>
    %add3A_9 = arith.addf %dot_general3A_5, %add3A : vector<8000x128xf32>
    %swap3A = arith.constant 0 : index
    %swap3A_10 = arith.constant 0 : index
    %swap3A_11 = vector.load %arg4[%swap3A, %swap3A_10] : memref<8000x128xf32, #tpu.memory_space<vmem>>, vector<8000x128xf32>
    tpu.vector_store %arg4[%swap3A, %swap3A_10], %add3A_9 {strides = array<i32>} : memref<8000x128xf32, #tpu.memory_space<vmem>>, vector<8000x128xf32>,
    return
  }
  func.func @transform_0(%arg0: i32) -> (i32, i32) {
    %c0_i32 = arith.constant 0 : i32
    %c0_i32_0 = arith.constant 0 : i32
    return %arg0, %c0_i32 : i32, i32
  }
  func.func @transform_1(%arg0: i32) -> (i32, i32) {
    %c0_i32 = arith.constant 0 : i32
    %c0_i32_0 = arith.constant 0 : i32
    %c0_i32_1 = arith.constant 0 : i32
    return %c0_i32, %c0_i32_0 : i32, i32
  }
  func.func @transform_2(%arg0: i32) -> (i32, i32) {
    %c0_i32 = arith.constant 0 : i32
    %c0_i32_0 = arith.constant 0 : i32
    %c0_i32_1 = arith.constant 0 : i32
    return %c0_i32, %c0_i32_0 : i32, i32
  }
  func.func @transform_3(%arg0: i32) -> (i32, i32) {
    %c0_i32 = arith.constant 0 : i32
    %c0_i32_0 = arith.constant 0 : i32
    return %arg0, %c0_i32 : i32, i32
  }
}

module attributes {stable_mosaic.version = 14 : i64} {
  func.func @_out_body(%arg0: i32, %arg1: memref<2000x128xf32, #tpu.memory_space<vmem>>, %arg2: memref<2000x128xf32, #tpu.memory_space<vmem>>, %arg3: memref<128x128xf32, #tpu.memory_space<vmem>>, %arg4: memref<128x128xf32, #tpu.memory_space<vmem>>, %arg5: memref<128x128xf32, #tpu.memory_space<vmem>>, %arg6: memref<128x128xf32, #tpu.memory_space<vmem>>, %arg7: memref<1x128xf32, #tpu.memory_space<vmem>>, %arg8: memref<1x128xf32, #tpu.memory_space<vmem>>, %arg9: memref<2000x128xf32, #tpu.memory_space<vmem>>) attributes {dimension_semantics = [#tpu.dimension_semantics<arbitrary>], iteration_bounds = array<i64: 5>, scalar_prefetch = 0 : i64, scratch_operands = 0 : i64, tpu.core_type = #tpu.core_type<tc>, window_params = [{transform_indices = @transform_0, window_bounds = array<i64: 2000, 128>}, {transform_indices = @transform_1, window_bounds = array<i64: 2000, 128>}, {pipeline_mode = #tpu.pipeline_mode<synchronous>, transform_indices = @transform_2, window_bounds = array<i64: 128, 128>}, {pipeline_mode = #tpu.pipeline_mode<synchronous>, transform_indices = @transform_3, window_bounds = array<i64: 128, 128>}, {pipeline_mode = #tpu.pipeline_mode<synchronous>, transform_indices = @transform_4, window_bounds = array<i64: 128, 128>}, {pipeline_mode = #tpu.pipeline_mode<synchronous>, transform_indices = @transform_5, window_bounds = array<i64: 128, 128>}, {pipeline_mode = #tpu.pipeline_mode<synchronous>, transform_indices = @transform_6, window_bounds = array<i64: 1, 128>}, {pipeline_mode = #tpu.pipeline_mode<synchronous>, transform_indices = @transform_7, window_bounds = array<i64: 1, 128>}, {transform_indices = @transform_8, window_bounds = array<i64: 2000, 128>}]} {
    %get3A = arith.constant 0 : index
    %get3A_0 = arith.constant 0 : index
    %get3A_1 = vector.load %arg1[%get3A, %get3A_0] : memref<2000x128xf32, #tpu.memory_space<vmem>>, vector<2000x128xf32>
    %get3A_2 = arith.constant 0 : index
    %get3A_3 = arith.constant 0 : index
    %get3A_4 = vector.load %arg2[%get3A_2, %get3A_3] : memref<2000x128xf32, #tpu.memory_space<vmem>>, vector<2000x128xf32>
    %get3A_5 = arith.constant 0 : index
    %get3A_6 = arith.constant 0 : index
    %get3A_7 = vector.load %arg3[%get3A_5, %get3A_6] : memref<128x128xf32, #tpu.memory_space<vmem>>, vector<128x128xf32>
    %dot_general3A = arith.constant dense<0.000000e+00> : vector<2000x128xf32>
    %dot_general3A_8 = tpu.matmul %get3A_4, %get3A_7, %dot_general3A {dimension_numbers = #tpu.dot_dimension_numbers<[1], [0], [0], [1], [0, 0, 1, 1], [], []>, precision = #tpu.contract_precision<fp32>, transpose_lhs_hint = false} : vector<2000x128xf32>, vector<128x128xf32>, vector<2000x128xf32> -> vector<2000x128xf32>
    %add3A = arith.addf %get3A_1, %dot_general3A_8 : vector<2000x128xf32>
    %get3A_9 = arith.constant 0 : index
    %get3A_10 = arith.constant 0 : index
    %get3A_11 = vector.load %arg4[%get3A_9, %get3A_10] : memref<128x128xf32, #tpu.memory_space<vmem>>, vector<128x128xf32>
    %dot_general3A_12 = arith.constant dense<0.000000e+00> : vector<2000x128xf32>
    %dot_general3A_13 = tpu.matmul %get3A_1, %get3A_11, %dot_general3A_12 {dimension_numbers = #tpu.dot_dimension_numbers<[1], [0], [0], [1], [0, 0, 1, 1], [], []>, precision = #tpu.contract_precision<fp32>, transpose_lhs_hint = false} : vector<2000x128xf32>, vector<128x128xf32>, vector<2000x128xf32> -> vector<2000x128xf32>
    %get3A_14 = arith.constant 0 : index
    %get3A_15 = arith.constant 0 : index
    %get3A_16 = vector.load %arg5[%get3A_14, %get3A_15] : memref<128x128xf32, #tpu.memory_space<vmem>>, vector<128x128xf32>
    %dot_general3A_17 = arith.constant dense<0.000000e+00> : vector<2000x128xf32>
    %dot_general3A_18 = tpu.matmul %add3A, %get3A_16, %dot_general3A_17 {dimension_numbers = #tpu.dot_dimension_numbers<[1], [0], [0], [1], [0, 0, 1, 1], [], []>, precision = #tpu.contract_precision<fp32>, transpose_lhs_hint = false} : vector<2000x128xf32>, vector<128x128xf32>, vector<2000x128xf32> -> vector<2000x128xf32>
    %add3A_19 = arith.addf %dot_general3A_13, %dot_general3A_18 : vector<2000x128xf32>
    %get3A_20 = arith.constant 0 : index
    %get3A_21 = arith.constant 0 : index
    %get3A_22 = vector.load %arg7[%get3A_20, %get3A_21] : memref<1x128xf32, #tpu.memory_space<vmem>>, vector<1x128xf32>
    %add3A_23 = vector.broadcast %get3A_22 : vector<1x128xf32> to vector<2000x128xf32>
    %add3A_24 = arith.addf %add3A_19, %add3A_23 : vector<2000x128xf32>
    %max3A = arith.constant 0.000000e+00 : f32
    %max3A_25 = vector.broadcast %max3A : f32 to vector<2000x128xf32>
    %max3A_26 = arith.maximumf %add3A_24, %max3A_25 : vector<2000x128xf32>
    %get3A_27 = arith.constant 0 : index
    %get3A_28 = arith.constant 0 : index
    %get3A_29 = vector.load %arg6[%get3A_27, %get3A_28] : memref<128x128xf32, #tpu.memory_space<vmem>>, vector<128x128xf32>
    %dot_general3A_30 = arith.constant dense<0.000000e+00> : vector<2000x128xf32>
    %dot_general3A_31 = tpu.matmul %max3A_26, %get3A_29, %dot_general3A_30 {dimension_numbers = #tpu.dot_dimension_numbers<[1], [0], [0], [1], [0, 0, 1, 1], [], []>, precision = #tpu.contract_precision<fp32>, transpose_lhs_hint = false} : vector<2000x128xf32>, vector<128x128xf32>, vector<2000x128xf32> -> vector<2000x128xf32>
    %get3A_32 = arith.constant 0 : index
    %get3A_33 = arith.constant 0 : index
    %get3A_34 = vector.load %arg8[%get3A_32, %get3A_33] : memref<1x128xf32, #tpu.memory_space<vmem>>, vector<1x128xf32>
    %add3A_35 = vector.broadcast %get3A_34 : vector<1x128xf32> to vector<2000x128xf32>
    %add3A_36 = arith.addf %dot_general3A_31, %add3A_35 : vector<2000x128xf32>
    %swap3A = arith.constant 0 : index
    %swap3A_37 = arith.constant 0 : index
    %swap3A_38 = vector.load %arg9[%swap3A, %swap3A_37] : memref<2000x128xf32, #tpu.memory_space<vmem>>, vector<2000x128xf32>
    tpu.vector_store %arg9[%swap3A, %swap3A_37], %add3A_36 {strides = array<i32>} : memref<2000x128xf32, #tpu.memory_space<vmem>>, vector<2000x128xf32>,
    return
  }
  func.func @transform_0(%arg0: i32) -> (i32, i32) {
    %c0_i32 = arith.constant 0 : i32
    %c0_i32_0 = arith.constant 0 : i32
    return %arg0, %c0_i32 : i32, i32
  }
  func.func @transform_1(%arg0: i32) -> (i32, i32) {
    %c0_i32 = arith.constant 0 : i32
    %c0_i32_0 = arith.constant 0 : i32
    return %arg0, %c0_i32 : i32, i32
  }
  func.func @transform_2(%arg0: i32) -> (i32, i32) {
    %c0_i32 = arith.constant 0 : i32
    %c0_i32_0 = arith.constant 0 : i32
    %c0_i32_1 = arith.constant 0 : i32
    return %c0_i32, %c0_i32_0 : i32, i32
  }
  func.func @transform_3(%arg0: i32) -> (i32, i32) {
    %c0_i32 = arith.constant 0 : i32
    %c0_i32_0 = arith.constant 0 : i32
    %c0_i32_1 = arith.constant 0 : i32
    return %c0_i32, %c0_i32_0 : i32, i32
  }
  func.func @transform_4(%arg0: i32) -> (i32, i32) {
    %c0_i32 = arith.constant 0 : i32
    %c0_i32_0 = arith.constant 0 : i32
    %c0_i32_1 = arith.constant 0 : i32
    return %c0_i32, %c0_i32_0 : i32, i32
  }
  func.func @transform_5(%arg0: i32) -> (i32, i32) {
    %c0_i32 = arith.constant 0 : i32
    %c0_i32_0 = arith.constant 0 : i32
    %c0_i32_1 = arith.constant 0 : i32
    return %c0_i32, %c0_i32_0 : i32, i32
  }
  func.func @transform_6(%arg0: i32) -> (i32, i32) {
    %c0_i32 = arith.constant 0 : i32
    %c0_i32_0 = arith.constant 0 : i32
    %c0_i32_1 = arith.constant 0 : i32
    return %c0_i32, %c0_i32_0 : i32, i32
  }
  func.func @transform_7(%arg0: i32) -> (i32, i32) {
    %c0_i32 = arith.constant 0 : i32
    %c0_i32_0 = arith.constant 0 : i32
    %c0_i32_1 = arith.constant 0 : i32
    return %c0_i32, %c0_i32_0 : i32, i32
  }
  func.func @transform_8(%arg0: i32) -> (i32, i32) {
    %c0_i32 = arith.constant 0 : i32
    %c0_i32_0 = arith.constant 0 : i32
    return %arg0, %c0_i32 : i32, i32
  }
}

</mosaic_0001>

<sc_bundles>
// kernel: kernel.6.cloned.1.call-start
scs
__scs_entry_jumppad:
0x0: {  	(pc) =	sbr.rel $0x88, $3  }
0x1: {  	(tag) =	ssettag $0x0;
	lr =	simm.s32 $0x1  }
0x2: {  	[smem:$0x3F96] =	sst lr;
	_ =	strace $0xD0000000  }
0x3: {  	_ = 	snop  }
0x4: {  	_ = 	snop  }
0x5: {  	_ = 	snop  }
0x6: {  	_ = 	snop  }
0x7: {  	_ = 	snop  }
__scs_overlays_trampoline_lowered:
0x8: {  	[smem:$0x3FA5] =	sst s0  }
0x9: {  	[smem:$0x3FA6] =	sst s1  }
0xa: {  	[smem:$0x3FA7] =	sst s2  }
0xb: {  	[smem:$0x3FA8] =	sst s3  }
0xc: {  	[smem:$0x3FA9] =	sst s4  }
0xd: {  	[smem:$0x3FAA] =	sst s5  }
0xe: {  	[smem:$0x3FAB] =	sst s6  }
0xf: {  	[smem:$0x3FAC] =	sst s7  }
0x10: {  	[smem:$0x3FAD] =	sst s8  }
0x11: {  	[smem:$0x3FAE] =	sst s9;
	s0 =	simm.s32 @!p0 $0x0  }
0x12: {  	s1 =	sld [smem:$0x3F94];
	s0 =	simm.s32 @p0 $0x1  }
0x13: {  	[smem:$0x3FAF] =	sst s0;
	s0 =	simm.s32 @!p1 $0x0  }
0x14: {  	s2 =	sld [smem:$0x3F93];
	s0 =	simm.s32 @p1 $0x1  }
0x15: {  	[smem:$0x3FB0] =	sst s0;
	s0 =	simm.s32 @!p2 $0x0  }
0x16: {  	s3 =	sld [smem:$0x3FDB];
	s0 =	simm.s32 @p2 $0x1  }
0x17: {  	s4 =	simm.s32 $0x1BF5;
	[smem:$0x3FB2] =	sst s0  }
0x18: {  	s0 =	sld [smem:$0x3F95];
	_ =	swait.ge [sflag:s4], $0x0  }
0x19: {  	s7 =	sld [smem:$0x3F96]  }
0x1a: {  	s8 =	sadd.s32 $0xFFFFE003, lr  }
0x1b: {  	s9 =	sadd.s32 $0xFFFFFEF7, lr;
	s5 =	simm.s32 $0xFFFFFFFF;
	p2 =	slt.u32 s8, $0xFFFFF086  }
0x1c: {  	p1 =	slt.u32 s9, $0xF7A;
	s5 =	simm.s32 @!p2 $0x0  }
0x1d: {  	s5 =	simm.s32 @p1 $0x1;
	p0 =	seq.s32 s7, s2  }
0x1e: {  	s7 =	smul.u32 @!p0 $0xF7A, s2;
	p2 =	seq.s32 @!p0 s5, $0x0  }
0x1f: {  	s9 =	smul.u32 $0xF7A, s1;
	s8 =	simm.s32 @!p0 $0x1BF5;
	p2 =	por !p2, p0  }
0x20: {  	[sflag:s8] =	ssyncset.s32 @!p0 $0xFFFFF086;
	s6 =	sadd.s32 @!p0 s3, s7;
	s7 =	simm.s32 @!p0 $0x108  }
0x21: {  	s3 =	sadd.s32 s3, s9;
	s6 =	sadd.s32 @!p0 $0x88, s6;
	s7 =	simm.s32 @p2 $0x1082  }
0x22: {  	[simem:s7], [sflag:s8] =	dma.local @!p0 [hbm:s6], $0xF7A  }
0x23: {  	s9 =	sor.u32 $0xD0000000, s2;
	s6 =	simm.s32 $0x108;
	_ =	swait.ge @!p0 [sflag:s8], $0x0  }
0x24: {  	s3 =	sadd.s32 $0x88, s3;
	s6 =	simm.s32 @!p1 $0x1082;
	[sflag:s4] =	ssyncset.s32 $0xFFFFF086  }
0x25: {  	[simem:s6], [sflag:s4] =	dma.local [hbm:s3], $0xF7A  }
0x26: {  	[smem:$0x3F96] =	sst s1;
	(tag) =	ssettag s2;
	_ =	strace s9  }
0x27: {  	s1 =	sld [smem:$0x3FA6]  }
0x28: {  	s2 =	sld [smem:$0x3FA7]  }
0x29: {  	s4 =	sld [smem:$0x3FA9]  }
0x2a: {  	p0 =	seq.s32 s5, $0x0;
	s5 =	sld [smem:$0x3FAA]  }
0x2b: {  	s6 =	sld [smem:$0x3FAB]  }
0x2c: {  	s7 =	sld [smem:$0x3FAC]  }
0x2d: {  	s3 =	simm.s32 $0x108;
	s8 =	sld [smem:$0x3FAD]  }
0x2e: {  	s3 =	simm.s32 @!p0 $0x1082;
	s9 =	sld [smem:$0x3FAE]  }
0x2f: {  	lr =	sadd.s32 s0, s3;
	s0 =	sld [smem:$0x3FA5]  }
0x30: {  	s3 =	sld [smem:$0x3FA8]  }
0x31: {  	[smem:$0x3FB1] =	sst s10  }
0x32: {  	s10 =	sld [smem:$0x3FAF];
	_ =	sdelay $0x3  }
0x33: {  	p0 =	seq.s32 s10, $0x1;
	s10 =	sld [smem:$0x3FB1];
	_ =	sdelay $0x3  }
0x34: {  	[smem:$0x3FB1] =	sst s10  }
0x35: {  	s10 =	sld [smem:$0x3FB0];
	_ =	sdelay $0x3  }
0x36: {  	p1 =	seq.s32 s10, $0x1;
	s10 =	sld [smem:$0x3FB1];
	_ =	sdelay $0x3  }
0x37: {  	[smem:$0x3FB1] =	sst s10  }
0x38: {  	s10 =	sld [smem:$0x3FB2]  }
0x39: {  	_ = 	snop;
	(pc) =	sbr.ind lr, $3  }
0x3a: {  	_ = 	snop  }
0x3b: {  	_ = 	snop  }
0x3c: {  	p2 =	seq.s32 s10, $0x1;
	s10 =	sld [smem:$0x3FB1]  }
0x3d: {  	_ =	shalt  }
0x3e: {  	_ =	shalt  }
0x3f: {  	_ =	shalt  }
0x40: {  	_ =	shalt  }
0x41: {  	_ =	shalt  }
0x42: {  	_ =	shalt  }
0x43: {  	_ =	shalt  }
0x44: {  	_ =	shalt  }
0x45: {  	_ =	shalt  }
0x46: {  	_ =	shalt  }
0x47: {  	_ =	shalt  }
0x48: {  	_ =	shalt  }
0x49: {  	_ =	shalt  }
0x4a: {  	_ =	shalt  }
0x4b: {  	_ =	shalt  }
0x4c: {  	_ =	shalt  }
0x4d: {  	_ =	shalt  }
0x4e: {  	_ =	shalt  }
0x4f: {  	_ =	shalt  }
0x50: {  	_ =	shalt  }
0x51: {  	_ =	shalt  }
0x52: {  	_ =	shalt  }
0x53: {  	_ =	shalt  }
0x54: {  	_ =	shalt  }
0x55: {  	_ =	shalt  }
0x56: {  	_ =	shalt  }
0x57: {  	_ =	shalt  }
0x58: {  	_ =	shalt  }
0x59: {  	_ =	shalt  }
0x5a: {  	_ =	shalt  }
0x5b: {  	_ =	shalt  }
0x5c: {  	_ =	shalt  }
0x5d: {  	_ =	shalt  }
0x5e: {  	_ =	shalt  }
0x5f: {  	_ =	shalt  }
0x60: {  	_ =	shalt  }
0x61: {  	_ =	shalt  }
0x62: {  	_ =	shalt  }
0x63: {  	_ =	shalt  }
0x64: {  	_ =	shalt  }
0x65: {  	_ =	shalt  }
0x66: {  	_ =	shalt  }
0x67: {  	_ =	shalt  }
0x68: {  	_ =	shalt  }
0x69: {  	_ =	shalt  }
0x6a: {  	_ =	shalt  }
0x6b: {  	_ =	shalt  }
0x6c: {  	_ =	shalt  }
0x6d: {  	_ =	shalt  }
0x6e: {  	_ =	shalt  }
0x6f: {  	_ =	shalt  }
0x70: {  	_ =	shalt  }
0x71: {  	_ =	shalt  }
0x72: {  	_ =	shalt  }
0x73: {  	_ =	shalt  }
0x74: {  	_ =	shalt  }
0x75: {  	_ =	shalt  }
0x76: {  	_ =	shalt  }
0x77: {  	_ =	shalt  }
0x78: {  	_ =	shalt  }
0x79: {  	_ =	shalt  }
0x7a: {  	_ =	shalt  }
0x7b: {  	_ =	shalt  }
0x7c: {  	_ =	shalt  }
0x7d: {  	_ =	shalt  }
0x7e: {  	_ =	shalt  }
0x7f: {  	_ =	shalt  }
0x80: {  	_ =	shalt  }
0x81: {  	_ =	shalt  }
0x82: {  	_ =	shalt  }
0x83: {  	_ =	shalt  }
0x84: {  	_ =	shalt  }
0x85: {  	_ =	shalt  }
0x86: {  	_ =	shalt  }
0x87: {  	_ =	shalt  }
.Lfunc_end0:
.L_simem_size_0:
called_computation_lowered:
.L_overlay_start_0:
0x88: {  	s2 =	sld [smem:$0x3FD9]  }
0x89: {  	s3 =	sld [smem:$0x3FFE];
	_ =	sdelay $0x1  }
0x8a: {  	s1 =	srdreg.scid  }
0x8b: {  	s0 =	sand.u32 $0x1, s1  }
0x8c: {  	s17 =	sshll.u32 s0, $0xA;
	s2 =	sadd.s32 s3, s2  }
0x8d: {  	s2 =	sadd.s32 s2, s17  }
0x8e: {  	[smem:$0x3FBD] =	sst s2  }
0x8f: {  	_ = 	snop  }
0x90: {  	s2 =	sld [smem:$0x3FD0];
	(tm) =	ssettm $0x1  }
0x91: {  	s18 =	sld [smem:$0x3FFB];
	_ =	sdelay $0x3  }
0x92: {  	_ =	strace s18  }
0x93: {  	s3 =	sld [smem:$0x3FFC];
	_ =	sdelay $0x3  }
0x94: {  	_ =	strace s3  }
0x95: {  	s3 =	sld [smem:$0x3FFD];
	_ =	sdelay $0x3  }
0x96: {  	_ =	strace s3  }
0x97: {  	_ =	strace $0x8FFFFFFF  }
0x98: {  	s19 =	sld [smem:$0x3FDB];
	_ =	sdelay $0x1  }
0x99: {  	s4 =	simm.s32 $_scs_section_size  }
0x9a: {  	s5 =	simm.s32 $_size__tile_overlayer_lowered;
	s6 =	simm.s32 $_tile_overlayer_lowered  }
0x9b: {  	s22 =	simm.s32 $0x1BFF;
	s21 =	sshll.u32 s6, $0x1;
	s3 =	sadd.s32 s4, s19  }
0x9c: {  	s7 =	simm.s32 $0x0;
	s20 =	sshll.u32 s5, $0x1;
	s5 =	sadd.s32 s21, s3  }
0x9d: {  	[timem:s7], [sflag:s22] =	dma.local [hbm:s5], s20  }
0x9e: {  	_ =	swait.ge [sflag:s22], s20  }
0x9f: {  	s4 =	ssub.s32 $0x0, s20;
	[sflag:s22] =	ssyncset.done $0x0  }
0xa0: {  	[sflag:s22] =	ssyncadd.s32 s4;
	_ =	sdelay $0x1  }
0xa1: {  	s23 =	simm.s32 $0x1B8B  }
0xa2: {  	_ =	swait.ge [sflag:s23], $0x1  }
0xa3: {  	[sflag:s23] =	ssyncset.done $0x0  }
0xa4: {  	s25 =	simm.s32 $0x1B8E;
	s24 =	sld [smem:$0x3FFE];
	[sflag:s23] =	ssyncadd.s32 $0xFFFFFFFF  }
0xa5: {  	s26 =	simm.s32 $execute0_lowered;
	[smem:$0x3FD2] =	sst s25  }
0xa6: {  	s5 =	sshll.u32 s26, $0x1;
	_ =	strace $0x80000046;
	[dreg:$0x1] =	wrdreg $0xFFFFFFFF  }
0xa7: {  	s28 =	simm.s32 $_size_execute0_lowered;
	s3 =	sadd.s32 s3, s5;
	[dreg:$0x0] =	wrdreg $0x0  }
0xa8: {  	s5 =	sshll.u32 s28, $0x1;
	[dreg:$0x2] =	wrdreg s3  }
0xa9: {  	[dreg:$0x3] =	wrdreg s5  }
0xaa: {  	[dreg:$0x4] =	wrdreg $0xC0  }
0xab: {  	_ =	task [dreg:s7], $0x5FFFF  }
0xac: {  	[dreg:$0x1] =	wrdreg $0xFFFFFFFF  }
0xad: {  	[dreg:$0x0] =	wrdreg $0x60  }
0xae: {  	[dreg:$0x2] =	wrdreg s2  }
0xaf: {  	[dreg:$0x3] =	wrdreg s24  }
0xb0: {  	[dreg:$0x4] =	wrdreg $0xC2000  }
0xb1: {  	[dreg:$0x5] =	wrdreg $0x9  }
0xb2: {  	_ =	task.clear_ibuf [dreg:s7], $0x6FFFF;
	_ =	strace $0x90000046  }
0xb3: {  	s29 =	simm.s32 $0x9;
	_ =	strace $0x80000048  }
0xb4: {  	_ =	swait.ge [sflag:s29], $0x1  }
0xb5: {  	[sflag:s29] =	ssyncadd.s32 $0xFFFFFFFF  }
0xb6: {  	_ =	strace $0x90000048  }
0xb7: {  	_ =	sfence  }
0xb8: {  	s30 =	sld [smem:$0x0];
	_ =	sdelay $0x2  }
0xb9: {  	s31 =	sshll.u32 s1, $0xD;
	s1 =	sshrl.u32 s1, $0x2  }
0xba: {  	s3 =	sand.u32 $0x4000, s31;
	s1 =	sadd.s32 s1, s30  }
0xbb: {  	s0 =	sor.u32 s3, s0;
	s1 =	sshll.u32 s1, $0x11  }
0xbc: {  	s0 =	sor.u32 s1, s0  }
0xbd: {  	s0 =	sadd.s32 $0x8F2B, s0  }
0xbe: {  	[sflag:s0] =	ssyncadd.remote.s32 $0x1  }
0xbf: {  	_ =	sfence.sel $0xFFFF  }
0xc0: {  	[dreg:$0x0] =	wrdreg $0xFFFFFFFF;
	(pc) =	sbr.abs _section_cstart, $3  }
0xc1: {  	[dreg:$0x1] =	wrdreg $0xFFFFFFFF  }
0xc2: {  	_ =	task.clear_ibuf [dreg:s7], $0x2FFFF;
	_ =	strace $0x9FFFFFFF  }
0xc3: {  	(tm) =	ssettm $0x7FFFFFFF  }
tec
execute0_lowered:
.L_overlay_start_1:
0x0: {  	(tag) =	ssettag $0x1  }
0x1: {  	s1 =	rddreg [dreg:$0x0]  }
0x2: {  	s0 =	rddreg [dreg:$0x1]  }
0x3: {  	s2 =	rddreg [dreg:$0x2]  }
0x4: {  	s3 =	simm.s32 $0x0;
	s4 =	srdreg.scid;
	s19 =	simm.s32 $0x3  }
0x5: {  	s20 =	simm.s32 $0xC000;
	s21 =	simm.s32 $0xC080;
	s22 =	simm.s32 $0xC100  }
0x6: {  	s23 =	simm.s32 $0x80;
	s24 =	simm.s32 $0x4000;
	s25 =	simm.s32 $0x8000  }
0x7: {  	s26 =	simm.s32 $0x1;
	s28 =	simm.s32 $0x2;
	s29 =	simm.s32 $0x0  }
0x8: {  	s30 =	simm.s32 $0x0;
	[smem:$0x7FF] =	sst s3;
	s3 =	stileid.u32  }
0x9: {  	s5 =	sadd.s32 $0xA0DC00, s0;
	s4 =	sand.u32 $0x1, s4;
	s6 =	sadd.s32 $0x4F9A00, s0  }
0xa: {  	s7 =	sadd.s32 $0x503A00, s0;
	s8 =	sadd.s32 $0x3E00, s0;
	s11 =	smul.u32 $0x1480, s3  }
0xb: {  	s9 =	sadd.s32 $0x2B000, s0;
	s10 =	sadd.s32 $0x50DA00, s0;
	s12 =	smul.u32 $0x14800, s4  }
0xc: {  	_ =	strace $0x80000047;
	s13 =	smul.u32 $0x29000, s3;
	s31 =	ssub.s32 $0x2, s4  }
0xd: {  	s15 =	smul.u32 $0x50000, s4;
	s14 =	sshrl.u32 s31, $0x1;
	s11 =	sadd.s32 s11, s12  }
0xe: {  	s13 =	sshrl.u32 s13, $0x2;
	s17 =	ssub.s32 s31, s14;
	s14 =	sshll.u32 s3, $0x7  }
0xf: {  	s0 =	sadd.s32 s11, s0;
	s11 =	sadd.s32 s13, s2;
	s17 =	smax.u32 s17, $0x1  }
0x10: {  	v0 =	vimm.f32 $0.0e+00;
	s12 =	sadd.s32 $0x4000, s11;
	s13 =	sadd.s32 $0x8000, s11;
	s16 =	sadd.s32 $0x3F000, s0  }
.LBB2_1:
0x11: {  	s0 =	simm.s32 $0x0;
	s4 =	simm.s32 $0xC180  }
0x12: {  	[tilespmem:s4], [sflag:$0x3] =	stream.linear.gather [hbm4b:s10+s0], $0x80, $0x38;
	[tilespmem:$0x16600] =	vst v63  }
0x13: {  	_ =	swait.ge [sflag:s19], $0x80  }
0x14: {  	[sflag:s19] =	ssyncset.done $0x0  }
0x15: {  	s0 =	simm.s32 $0x0;
	s4 =	simm.s32 $0x200;
	[sflag:s19] =	ssyncadd.s32 $0xFFFFFF80  }
.LBB2_2:
0x16: {  	p0 =	sne.s32 s4, $0xFE00;
	[tilespmem:s0+$0x70] =	vst v0  }
0x17: {  	[tilespmem:s0+$0x0] =	vst v0  }
0x18: {  	[tilespmem:s0+$0x10] =	vst v0  }
.Ltmp0:
0x19: {  	[tilespmem:s0+$0x20] =	vst v0;
	(pc) =	sbr.rel @p0 .LBB2_2-.Ltmp0, $4  }
0x1a: {  	[tilespmem:s0+$0x30] =	vst v0  }
0x1b: {  	[tilespmem:s0+$0x40] =	vst v0  }
0x1c: {  	[tilespmem:s0+$0x50] =	vst v0  }
0x1d: {  	[tilespmem:s0+$0x60] =	vst v0;
	s0 =	sshra.s32 s4, $0x2;
	s4 =	sadd.s32 $0x200, s4  }
0x1e: {  	[tilespmem:s0+$0x70] =	vst v0  }
0x1f: {  	[tilespmem:s0+$0x0] =	vst v0  }
0x20: {  	[tilespmem:s0+$0x10] =	vst v0  }
0x21: {  	[tilespmem:s0+$0x20] =	vst v0  }
0x22: {  	[tilespmem:s0+$0x30] =	vst v0  }
0x23: {  	[tilespmem:s0+$0x40] =	vst v0  }
0x24: {  	[tilespmem:s0+$0x50] =	vst v0  }
0x25: {  	[tilespmem:s0+$0x60] =	vst v0  }
0x26: {  	[spmem:s11] =	stream.linear.scatter [tilespmem:s30], [sflag:$0x3], $0x4000, $0x38;
	[tilespmem:$0x16600] =	vst v63  }
0x27: {  	_ =	swait.ge [sflag:s19], $0x4000  }
0x28: {  	[sflag:s19] =	ssyncset.done $0x0  }
0x29: {  	[sflag:s19] =	ssyncadd.s32 $0xFFFFC000  }
0x2a: {  	[spmem:s12] =	stream.linear.scatter [tilespmem:s30], [sflag:$0x3], $0x4000, $0x38;
	[tilespmem:$0x16600] =	vst v63  }
0x2b: {  	_ =	swait.ge [sflag:s19], $0x4000  }
0x2c: {  	[sflag:s19] =	ssyncset.done $0x0  }
0x2d: {  	[sflag:s19] =	ssyncadd.s32 $0xFFFFC000  }
0x2e: {  	[spmem:s13] =	stream.linear.scatter [tilespmem:s30], [sflag:$0x3], $0x2400, $0x38;
	[tilespmem:$0x16600] =	vst v63  }
0x2f: {  	_ =	swait.ge [sflag:s19], $0x2400  }
0x30: {  	[sflag:s19] =	ssyncset.done $0x0  }
0x31: {  	[sflag:s19] =	ssyncadd.s32 $0xFFFFDC00  }
0x32: {  	s31 =	simm.s32 $0x0;
	[bflag:$0x0] =	sbarrier.arrive $0xFFFF  }
.LBB2_4:
0x33: {  	s0 =	sshll.u32 s31, $0xB  }
0x34: {  	s0 =	sor.u32 s14, s0  }
0x35: {  	s4 =	sshrl.u32 s0, $0x3  }
0x36: {  	s18 =	sadd.s32 s6, s4  }
0x37: {  	[tilespmem:s20], [sflag:$0x3] =	stream.linear.gather [hbm4b:s18+s30], $0x80, $0x38;
	[tilespmem:$0x16600] =	vst v63  }
0x38: {  	_ =	swait.ge [sflag:s19], $0x80  }
0x39: {  	[sflag:s19] =	ssyncset.done $0x0  }
0x3a: {  	s4 =	sadd.s32 s7, s4;
	[sflag:s19] =	ssyncadd.s32 $0xFFFFFF80  }
0x3b: {  	[tilespmem:s21], [sflag:$0x3] =	stream.linear.gather [hbm4b:s4+s30], $0x80, $0x38;
	[tilespmem:$0x16600] =	vst v63  }
0x3c: {  	s18 =	sadd.s32 s15, s0;
	_ =	swait.ge [sflag:s19], $0x80  }
0x3d: {  	s4 =	sshrl.u32 s18, $0x3;
	[sflag:s19] =	ssyncset.done $0x0  }
0x3e: {  	s4 =	sadd.s32 s9, s4;
	[sflag:s19] =	ssyncadd.s32 $0xFFFFFF80  }
0x3f: {  	[tilespmem:s22], [sflag:$0x3] =	stream.linear.gather [hbm4b:s4+s30], $0x80, $0x38;
	[tilespmem:$0x16600] =	vst v63  }
0x40: {  	_ =	swait.ge [sflag:s19], $0x80  }
0x41: {  	[sflag:s19] =	ssyncset.done $0x0  }
0x42: {  	[sflag:s19] =	ssyncadd.s32 $0xFFFFFF80  }
0x43: {  	[tilespmem:s30], [sflag:$0x1] =	stream.indirect.gather [hbm4b:s1+s23], $0x80, s20, s23, $0xb8;
	[tilespmem:$0x16600] =	vst v63  }
0x44: {  	s0 =	sshll.u32 s0, $0x4  }
0x45: {  	[tilespmem:s24], [sflag:$0x2] =	stream.indirect.gather [hbm4b:s8+s23], $0x80, s21, s23, $0xb8;
	[tilespmem:$0x16600] =	vst v63  }
0x46: {  	s0 =	sadd.s32 s5, s0  }
0x47: {  	[tilespmem:s25], [sflag:$0x3] =	stream.linear.gather [hbm4b:s0+s30], $0x4000, $0x38;
	[tilespmem:$0x16600] =	vst v63  }
0x48: {  	_ =	swait.ge [sflag:s19], $0x4000  }
0x49: {  	[sflag:s19] =	ssyncset.done $0x0  }
0x4a: {  	[sflag:s19] =	ssyncadd.s32 $0xFFFFC000  }
0x4b: {  	_ =	swait.ge [sflag:s26], $0x4000  }
0x4c: {  	[sflag:s26] =	ssyncset.done $0x0  }
0x4d: {  	[sflag:s26] =	ssyncadd.s32 $0xFFFFC000  }
0x4e: {  	_ =	swait.ge [sflag:s28], $0x4000  }
0x4f: {  	[sflag:s28] =	ssyncset.done $0x0  }
0x50: {  	s0 =	simm.s32 $0x0;
	[sflag:s28] =	ssyncadd.s32 $0xFFFFC000  }
0x51: {  	v1 =	vld [tilespmem:s0+$0x0]  }
0x52: {  	v2 =	vld [tilespmem:s0+$0x4000];
	_ =	sdelay $0x1  }
0x53: {  	v3 =	vld [tilespmem:s0+$0x8000];
	_ =	sdelay $0x2  }
0x54: {  	v1 =	vadd.f32 v2, v1;
	v2 =	vld [tilespmem:$0xC180];
	_ =	sdelay $0x1  }
0x55: {  	v4 =	vld [tilespmem:s0+$0x4010];
	v1 =	vadd.f32 v3, v1  }
0x56: {  	v3 =	vld [tilespmem:s0+$0x10]  }
0x57: {  	v1 =	vmax.f32 v1, $0.0e+00  }
0x58: {  	v1 =	vadd.f32 v1, v2;
	v2 =	vld [tilespmem:s0+$0x8010];
	_ =	sdelay $0x1  }
0x59: {  	[tilespmem:s0+$0x8000] =	vst v1  }
0x5a: {  	v1 =	vadd.f32 v4, v3;
	v3 =	vld [tilespmem:$0xC190];
	_ =	sdelay $0x1  }
0x5b: {  	v4 =	vld [tilespmem:s0+$0x4020];
	v1 =	vadd.f32 v2, v1  }
0x5c: {  	v2 =	vld [tilespmem:s0+$0x20]  }
0x5d: {  	v1 =	vmax.f32 v1, $0.0e+00  }
0x5e: {  	v1 =	vadd.f32 v1, v3;
	v3 =	vld [tilespmem:s0+$0x8020];
	_ =	sdelay $0x1  }
0x5f: {  	[tilespmem:s0+$0x8010] =	vst v1  }
0x60: {  	v1 =	vadd.f32 v4, v2;
	v2 =	vld [tilespmem:$0xC1A0];
	_ =	sdelay $0x1  }
0x61: {  	v4 =	vld [tilespmem:s0+$0x4030];
	v1 =	vadd.f32 v3, v1  }
0x62: {  	v3 =	vld [tilespmem:s0+$0x30]  }
0x63: {  	v1 =	vmax.f32 v1, $0.0e+00  }
0x64: {  	v1 =	vadd.f32 v1, v2;
	v2 =	vld [tilespmem:s0+$0x8030];
	_ =	sdelay $0x1  }
0x65: {  	[tilespmem:s0+$0x8020] =	vst v1  }
0x66: {  	v1 =	vadd.f32 v4, v3;
	v3 =	vld [tilespmem:$0xC1B0];
	_ =	sdelay $0x1  }
0x67: {  	v4 =	vld [tilespmem:s0+$0x4040];
	v1 =	vadd.f32 v2, v1  }
0x68: {  	v2 =	vld [tilespmem:s0+$0x40]  }
0x69: {  	v1 =	vmax.f32 v1, $0.0e+00  }
0x6a: {  	v1 =	vadd.f32 v1, v3;
	v3 =	vld [tilespmem:s0+$0x8040];
	_ =	sdelay $0x1  }
0x6b: {  	[tilespmem:s0+$0x8030] =	vst v1  }
0x6c: {  	v1 =	vadd.f32 v4, v2;
	v2 =	vld [tilespmem:$0xC1C0];
	_ =	sdelay $0x1  }
0x6d: {  	v4 =	vld [tilespmem:s0+$0x4050];
	v1 =	vadd.f32 v3, v1  }
0x6e: {  	v3 =	vld [tilespmem:s0+$0x50]  }
0x6f: {  	v1 =	vmax.f32 v1, $0.0e+00  }
0x70: {  	v1 =	vadd.f32 v1, v2;
	v2 =	vld [tilespmem:s0+$0x8050];
	_ =	sdelay $0x1  }
0x71: {  	[tilespmem:s0+$0x8040] =	vst v1  }
0x72: {  	v1 =	vadd.f32 v4, v3;
	v3 =	vld [tilespmem:$0xC1D0];
	_ =	sdelay $0x1  }
0x73: {  	v4 =	vld [tilespmem:s0+$0x4060];
	v1 =	vadd.f32 v2, v1  }
0x74: {  	v2 =	vld [tilespmem:s0+$0x60]  }
0x75: {  	v1 =	vmax.f32 v1, $0.0e+00  }
0x76: {  	v1 =	vadd.f32 v1, v3;
	v3 =	vld [tilespmem:s0+$0x8060];
	_ =	sdelay $0x1  }
0x77: {  	[tilespmem:s0+$0x8050] =	vst v1  }
0x78: {  	v1 =	vadd.f32 v4, v2;
	v2 =	vld [tilespmem:$0xC1E0];
	_ =	sdelay $0x1  }
0x79: {  	v4 =	vld [tilespmem:s0+$0x70];
	v1 =	vadd.f32 v3, v1  }
0x7a: {  	v3 =	vld [tilespmem:s0+$0x4070]  }
0x7b: {  	v1 =	vmax.f32 v1, $0.0e+00  }
0x7c: {  	v5 =	vld [tilespmem:s0+$0x8070];
	v1 =	vadd.f32 v1, v2;
	_ =	sdelay $0x1  }
0x7d: {  	[tilespmem:s0+$0x8060] =	vst v1  }
0x7e: {  	v3 =	vadd.f32 v3, v4;
	v2 =	vld [tilespmem:$0xC1F0]  }
0x7f: {  	s18 =	simm.s32 $0x80  }
0x80: {  	s4 =	simm.s32 $0x400;
	v1 =	vld [tilespmem:s18+$0x0];
	v3 =	vadd.f32 v5, v3  }
.LBB2_5:
0x81: {  	p0 =	sne.s32 s4, $0xFE00;
	v4 =	vld [tilespmem:s18+$0x4000]  }
0x82: {  	v3 =	vmax.f32 v3, $0.0e+00  }
0x83: {  	v5 =	vld [tilespmem:s18+$0x8000];
	v2 =	vadd.f32 v3, v2;
	_ =	sdelay $0x1  }
0x84: {  	[tilespmem:s0+$0x8070] =	vst v2;
	s0 =	smov.u32 s18  }
0x85: {  	v1 =	vadd.f32 v4, v1;
	v2 =	vld [tilespmem:$0xC180];
	_ =	sdelay $0x1  }
0x86: {  	v1 =	vadd.f32 v5, v1;
	v3 =	vld [tilespmem:s0+$0x10]  }
0x87: {  	v4 =	vld [tilespmem:s0+$0x4010]  }
0x88: {  	v1 =	vmax.f32 v1, $0.0e+00  }
0x89: {  	v1 =	vadd.f32 v1, v2;
	v2 =	vld [tilespmem:s0+$0x8010];
	_ =	sdelay $0x1  }
0x8a: {  	[tilespmem:s0+$0x8000] =	vst v1  }
0x8b: {  	v1 =	vadd.f32 v4, v3;
	v3 =	vld [tilespmem:$0xC190];
	_ =	sdelay $0x1  }
0x8c: {  	v1 =	vadd.f32 v2, v1;
	v2 =	vld [tilespmem:s0+$0x20]  }
0x8d: {  	v4 =	vld [tilespmem:s0+$0x4020]  }
0x8e: {  	v1 =	vmax.f32 v1, $0.0e+00  }
0x8f: {  	v1 =	vadd.f32 v1, v3;
	v3 =	vld [tilespmem:s0+$0x8020];
	_ =	sdelay $0x1  }
0x90: {  	[tilespmem:s0+$0x8010] =	vst v1  }
0x91: {  	v1 =	vadd.f32 v4, v2;
	v2 =	vld [tilespmem:$0xC1A0];
	_ =	sdelay $0x1  }
0x92: {  	v1 =	vadd.f32 v3, v1;
	v3 =	vld [tilespmem:s0+$0x30]  }
0x93: {  	v4 =	vld [tilespmem:s0+$0x4030]  }
0x94: {  	v1 =	vmax.f32 v1, $0.0e+00  }
0x95: {  	v1 =	vadd.f32 v1, v2;
	v2 =	vld [tilespmem:s0+$0x8030];
	_ =	sdelay $0x1  }
0x96: {  	[tilespmem:s0+$0x8020] =	vst v1  }
0x97: {  	v1 =	vadd.f32 v4, v3;
	v3 =	vld [tilespmem:$0xC1B0];
	_ =	sdelay $0x1  }
0x98: {  	v1 =	vadd.f32 v2, v1;
	v2 =	vld [tilespmem:s0+$0x40]  }
0x99: {  	v4 =	vld [tilespmem:s0+$0x4040]  }
0x9a: {  	v1 =	vmax.f32 v1, $0.0e+00  }
0x9b: {  	v1 =	vadd.f32 v1, v3;
	v3 =	vld [tilespmem:s0+$0x8040];
	_ =	sdelay $0x1  }
0x9c: {  	[tilespmem:s0+$0x8030] =	vst v1  }
0x9d: {  	v1 =	vadd.f32 v4, v2;
	v2 =	vld [tilespmem:$0xC1C0];
	_ =	sdelay $0x1  }
0x9e: {  	v1 =	vadd.f32 v3, v1;
	v3 =	vld [tilespmem:s0+$0x50]  }
0x9f: {  	v4 =	vld [tilespmem:s0+$0x4050]  }
0xa0: {  	v1 =	vmax.f32 v1, $0.0e+00  }
0xa1: {  	v1 =	vadd.f32 v1, v2;
	v2 =	vld [tilespmem:s0+$0x8050];
	_ =	sdelay $0x1  }
0xa2: {  	[tilespmem:s0+$0x8040] =	vst v1  }
0xa3: {  	v1 =	vadd.f32 v4, v3;
	v3 =	vld [tilespmem:$0xC1D0];
	_ =	sdelay $0x1  }
0xa4: {  	v1 =	vadd.f32 v2, v1;
	v2 =	vld [tilespmem:s0+$0x60]  }
0xa5: {  	v4 =	vld [tilespmem:s0+$0x4060]  }
0xa6: {  	v1 =	vmax.f32 v1, $0.0e+00  }
0xa7: {  	v1 =	vadd.f32 v1, v3;
	v3 =	vld [tilespmem:s0+$0x8060];
	_ =	sdelay $0x1  }
0xa8: {  	[tilespmem:s0+$0x8050] =	vst v1  }
0xa9: {  	v1 =	vadd.f32 v4, v2;
	v2 =	vld [tilespmem:$0xC1E0];
	_ =	sdelay $0x1  }
0xaa: {  	v1 =	vadd.f32 v3, v1;
	v3 =	vld [tilespmem:s0+$0x70]  }
0xab: {  	v4 =	vld [tilespmem:s0+$0x4070]  }
0xac: {  	v1 =	vmax.f32 v1, $0.0e+00  }
0xad: {  	v1 =	vadd.f32 v1, v2;
	v5 =	vld [tilespmem:s0+$0x8070]  }
.Ltmp1:
0xae: {  	(pc) =	sbr.rel @p0 .LBB2_5-.Ltmp1, $4  }
0xaf: {  	[tilespmem:s0+$0x8060] =	vst v1  }
0xb0: {  	v3 =	vadd.f32 v4, v3;
	v2 =	vld [tilespmem:$0xC1F0]  }
0xb1: {  	s18 =	sshra.s32 s4, $0x2  }
0xb2: {  	s4 =	sadd.s32 $0x200, s4;
	v1 =	vld [tilespmem:s18+$0x0];
	v3 =	vadd.f32 v5, v3  }
0xb3: {  	v4 =	vld [tilespmem:s18+$0x4000]  }
0xb4: {  	v3 =	vmax.f32 v3, $0.0e+00  }
0xb5: {  	v5 =	vld [tilespmem:s18+$0x8000];
	v2 =	vadd.f32 v3, v2;
	_ =	sdelay $0x1  }
0xb6: {  	[tilespmem:s0+$0x8070] =	vst v2  }
0xb7: {  	v1 =	vadd.f32 v4, v1;
	v2 =	vld [tilespmem:$0xC180];
	_ =	sdelay $0x1  }
0xb8: {  	v3 =	vld [tilespmem:s18+$0x10];
	v1 =	vadd.f32 v5, v1  }
0xb9: {  	v57 =	vld [tilespmem:s18+$0x4010]  }
0xba: {  	v1 =	vmax.f32 v1, $0.0e+00  }
0xbb: {  	v1 =	vadd.f32 v1, v2;
	v2 =	vld [tilespmem:s18+$0x8010];
	_ =	sdelay $0x1  }
0xbc: {  	[tilespmem:s18+$0x8000] =	vst v1  }
0xbd: {  	v1 =	vadd.f32 v57, v3;
	v3 =	vld [tilespmem:$0xC190];
	_ =	sdelay $0x1  }
0xbe: {  	v58 =	vld [tilespmem:s18+$0x4020];
	v1 =	vadd.f32 v2, v1  }
0xbf: {  	v2 =	vld [tilespmem:s18+$0x20]  }
0xc0: {  	v1 =	vmax.f32 v1, $0.0e+00  }
0xc1: {  	v1 =	vadd.f32 v1, v3;
	v3 =	vld [tilespmem:s18+$0x8020];
	_ =	sdelay $0x1  }
0xc2: {  	[tilespmem:s18+$0x8010] =	vst v1  }
0xc3: {  	v1 =	vadd.f32 v58, v2;
	v2 =	vld [tilespmem:$0xC1A0];
	_ =	sdelay $0x1  }
0xc4: {  	v59 =	vld [tilespmem:s18+$0x4030];
	v1 =	vadd.f32 v3, v1  }
0xc5: {  	v3 =	vld [tilespmem:s18+$0x30]  }
0xc6: {  	v1 =	vmax.f32 v1, $0.0e+00  }
0xc7: {  	v1 =	vadd.f32 v1, v2;
	v2 =	vld [tilespmem:s18+$0x8030];
	_ =	sdelay $0x1  }
0xc8: {  	[tilespmem:s18+$0x8020] =	vst v1  }
0xc9: {  	v1 =	vadd.f32 v59, v3;
	v3 =	vld [tilespmem:$0xC1B0];
	_ =	sdelay $0x1  }
0xca: {  	v60 =	vld [tilespmem:s18+$0x4040];
	v1 =	vadd.f32 v2, v1  }
0xcb: {  	v2 =	vld [tilespmem:s18+$0x40]  }
0xcc: {  	v1 =	vmax.f32 v1, $0.0e+00  }
0xcd: {  	v1 =	vadd.f32 v1, v3;
	v3 =	vld [tilespmem:s18+$0x8040];
	_ =	sdelay $0x1  }
0xce: {  	[tilespmem:s18+$0x8030] =	vst v1  }
0xcf: {  	v1 =	vadd.f32 v60, v2;
	v2 =	vld [tilespmem:$0xC1C0];
	_ =	sdelay $0x1  }
0xd0: {  	v61 =	vld [tilespmem:s18+$0x4050];
	v1 =	vadd.f32 v3, v1  }
0xd1: {  	v3 =	vld [tilespmem:s18+$0x50]  }
0xd2: {  	v1 =	vmax.f32 v1, $0.0e+00  }
0xd3: {  	v1 =	vadd.f32 v1, v2;
	v2 =	vld [tilespmem:s18+$0x8050];
	_ =	sdelay $0x1  }
0xd4: {  	[tilespmem:s18+$0x8040] =	vst v1  }
0xd5: {  	v1 =	vadd.f32 v61, v3;
	v3 =	vld [tilespmem:$0xC1D0];
	_ =	sdelay $0x1  }
0xd6: {  	v62 =	vld [tilespmem:s18+$0x4060];
	v1 =	vadd.f32 v2, v1  }
0xd7: {  	v2 =	vld [tilespmem:s18+$0x60]  }
0xd8: {  	v1 =	vmax.f32 v1, $0.0e+00  }
0xd9: {  	v1 =	vadd.f32 v1, v3;
	v3 =	vld [tilespmem:s18+$0x8060];
	_ =	sdelay $0x1  }
0xda: {  	[tilespmem:s18+$0x8050] =	vst v1  }
0xdb: {  	v1 =	vadd.f32 v62, v2;
	v2 =	vld [tilespmem:$0xC1E0];
	_ =	sdelay $0x1  }
0xdc: {  	v63 =	vld [tilespmem:s18+$0x4070];
	v1 =	vadd.f32 v3, v1  }
0xdd: {  	v3 =	vld [tilespmem:s18+$0x70]  }
0xde: {  	v1 =	vmax.f32 v1, $0.0e+00  }
0xdf: {  	v1 =	vadd.f32 v1, v2;
	v2 =	vld [tilespmem:s18+$0x8070];
	_ =	sdelay $0x1  }
0xe0: {  	[tilespmem:s18+$0x8060] =	vst v1  }
0xe1: {  	v1 =	vadd.f32 v63, v3;
	v3 =	vld [tilespmem:$0xC1F0];
	_ =	sdelay $0x1  }
0xe2: {  	v1 =	vadd.f32 v2, v1;
	_ =	sdelay $0x1  }
0xe3: {  	v1 =	vmax.f32 v1, $0.0e+00  }
0xe4: {  	s31 =	sadd.s32 $0x1, s31;
	v1 =	vadd.f32 v1, v3  }
0xe5: {  	p0 =	sne.s32 s31, $0xA0  }
.Ltmp2:
0xe6: {  	[tilespmem:s18+$0x8070] =	vst v1;
	(pc) =	sbr.rel @p0 .LBB2_4-.Ltmp2, $4  }
0xe7: {  	[spmem:s2] =	stream.indirect.scatter.add.f32 [tilespmem:s25], [sflag:$0x3], $0x80, s22, s23, $0xb8;
	[tilespmem:$0x16600] =	vst v63  }
0xe8: {  	_ =	swait.ge [sflag:s19], $0x4000  }
0xe9: {  	[sflag:s19] =	ssyncset.done $0x0  }
0xea: {  	[sflag:s19] =	ssyncadd.s32 $0xFFFFC000  }
0xeb: {  	s29 =	sadd.s32 $0x1, s29  }
0xec: {  	s0 =	sshll.u32 s3, $0x6;
	[bflag:$0x0] =	sbarrier.arrive $0xFFFF;
	p0 =	sne.s32 s29, s17  }
.Ltmp3:
0xed: {  	s4 =	sshrl.u32 s11, $0x3;
	s0 =	sor.u32 $0x1C03, s0;
	(pc) =	sbr.rel @p0 .LBB2_1-.Ltmp3, $4  }
0xee: {  	[hbm:s16], [sflag:s0] =	dma.local [spmem:s4], $0x1480  }
0xef: {  	_ =	swait.ge [sflag:s19], $0x1480  }
0xf0: {  	[sflag:s19] =	ssyncset.done $0x0  }
0xf1: {  	[sflag:s19] =	ssyncadd.s32 $0xFFFFEB80  }
0xf2: {  	_ =	sfence.sel $0x180000  }
0xf3: {  	[bflag:$0x0] =	sbarrier.arrive $0xFFFF  }
0xf4: {  	_ =	strace $0x90000047  }
0xf5: {  	[bflag:$0x2] =	sbarrier.arrive $0xFFFF  }
0xf6: {  	p0 =	sne.s32 s3, $0x0;
	s0 =	rddreg [dreg:$0x3]  }
0xf7: {  	s0 =	sadd.s32 @!p0 $0x100000, s0  }
0xf8: {  	[sflag:s0] =	ssyncadd.tile.s32 @!p0 $0x1;
	_ =	shalt  }
.Lfunc_end2:
_tile_overlayer_lowered:
.L_overlay_start_2:
0xf9: {  	(tag) =	ssettag $0x2  }
0xfa: {  	s0 =	rddreg [dreg:$0x0];
	s2 =	stileid.u32  }
0xfb: {  	s1 =	rddreg [dreg:$0x1];
	p0 =	sne.s32 s2, $0x0  }
0xfc: {  	s3 =	rddreg [dreg:$0x2];
	[bflag:$0x3] =	sbarrier.arrive $0xFFFF;
	s2 =	simm.s32 @!p0 $0x1C03  }
0xfd: {  	[timem:s3], [sflag:s2] =	dma.local @!p0 [hbm:s0], s1  }
0xfe: {  	s0 =	simm.s32 @!p0 $0x3  }
0xff: {  	_ =	swait.ge @!p0 [sflag:s0], s1  }
0x100: {  	s1 =	ssub.s32 @!p0 $0x0, s1;
	[sflag:s0] =	ssyncset.done @!p0 $0x0  }
0x101: {  	[sflag:s0] =	ssyncadd.s32 @!p0 s1  }
0x102: {  	[bflag:$0x3] =	sbarrier.arrive $0xFFFF  }
0x103: {  	_ =	shalt  }

</sc_bundles>
